<compile_context>
chip_gen: v7x
topology: tpu7x:2x2x1
jax: 0.10.2.dev20260603
libtpu: 0.0.44.dev20260713+nightly
codegen_flags: <defaults>
</compile_context>

<pallas_src>
import functools

import numpy as np
import jax
import jax.numpy as jnp
from jax.experimental import pallas as pl
from jax.experimental.pallas import tpu as pltpu
from jax.experimental.pallas import tpu_sc as plsc

_B, _N, _K = 8, 20000, 64
_NP = 20480
_RROWS = _NP // 128
_R = 128
_FG = 32
_T = 4096
_TROWS = _T // 128
_PAIR = 1

_WORDS = np.stack([
    np.random.RandomState(1234 + b).randint(0, 2 ** 32, _T, dtype=np.uint32)
    for b in range(_B)
]).view(np.int32).reshape(_B, _TROWS, 128)

_f32 = jnp.float32
_i32 = jnp.int32
_HI = jax.lax.Precision.HIGHEST
_DN0 = (((0,), (0,)), ((), ()))


def _iota(shape, dim):
    return jax.lax.broadcasted_iota(_i32, shape, dim)


def _mask_bits(r):
    m = r
    for s in (1, 2, 4, 8, 16):
        m = m | jax.lax.shift_right_logical(m, s)
    return m


def _cumsum_parts(m, l_rows, u_lanes):
    rowpfx = jnp.dot(m, u_lanes, preferred_element_type=_f32)
    rowtot = rowpfx[:, 127:128]
    rowinc = jnp.dot(l_rows, rowtot, preferred_element_type=_f32)
    return rowpfx, rowinc


def _rank_row(parts, vrow):
    rowpfx, rowinc = parts
    rows = rowpfx.shape[0]
    rowtot = rowpfx[:, 127:128]
    rowexc = rowinc - rowtot
    cmp = (rowinc < vrow).astype(_f32)
    rowidx = cmp.sum(axis=0, keepdims=True)
    rowsel = jnp.minimum(rowidx.astype(_i32), rows - 1)
    oht = (_iota((rows, 128), 0) == rowsel).astype(_f32)
    p_sel = jax.lax.dot_general(rowpfx, oht, _DN0,
                                preferred_element_type=_f32)
    exc = jax.lax.dot_general(rowexc, oht, _DN0,
                              preferred_element_type=_f32,
                              precision=_HI)
    localv = vrow - exc
    cnt = (p_sel < localv).astype(_f32).sum(axis=0, keepdims=True)
    return rowsel.astype(_f32) * 128.0 + cnt


def _gather_row(vals, idxrow):
    rows = vals.shape[0]
    row = jax.lax.shift_right_logical(idxrow, 7)
    lane = jnp.bitwise_and(idxrow, 127)
    oht = (_iota((rows, 128), 0) == row).astype(_f32)
    sel = jax.lax.dot_general(vals, oht, _DN0,
                              preferred_element_type=_f32,
                              precision=_HI)
    eq = (_iota((128, 128), 0) == lane).astype(_f32)
    return (sel * eq).sum(axis=0, keepdims=True)


def _sc_gather_rows(table16, idxflat):
    nw = 32
    bpw = (_B * _R) // nw
    mesh = plsc.VectorSubcoreMesh(core_axis_name="c", subcore_axis_name="s")

    @functools.partial(
        pl.kernel, mesh=mesh,
        out_type=jax.ShapeDtypeStruct((_B * _R, 16), jnp.float32),
        compiler_params=pltpu.CompilerParams(use_tc_tiling_on_sc=False),
        scratch_types=[
            pltpu.VMEM((bpw,), jnp.int32),
            pltpu.VMEM((bpw, 16), jnp.float32),
            pltpu.SemaphoreType.DMA,
        ],
    )
    def k(table_hbm, idx_hbm, out_hbm, idx_v, rows_v, sem):
        wid = jax.lax.axis_index("s") * 2 + jax.lax.axis_index("c")
        base = wid * bpw
        pltpu.sync_copy(idx_hbm.at[pl.ds(base, bpw)], idx_v)
        pltpu.async_copy(table_hbm.at[idx_v], rows_v, sem).wait()
        pltpu.sync_copy(rows_v, out_hbm.at[pl.ds(base, bpw)])

    return k(table16, idxflat)


def _body(coords_ref, gt_ref, gtb_ref, words_ref,
          lab_ref, roisb_ref, tgt_ref, biw_ref, kkf_ref):
    u_lanes = (_iota((128, 128), 0) <= _iota((128, 128), 1)).astype(_f32)
    l32 = (_iota((_TROWS, _TROWS), 1) <= _iota((_TROWS, _TROWS), 0)).astype(_f32)
    l160 = (_iota((_RROWS, _RROWS), 1) <= _iota((_RROWS, _RROWS), 0)).astype(_f32)
    qrow = (_iota((1, 128), 1) + 1).astype(_f32)
    irow = _iota((1, 128), 1)
    nflat = _iota((_RROWS, 128), 0) * 128 + _iota((_RROWS, 128), 1)
    tflat = _iota((_TROWS, 128), 0) * 128 + _iota((_TROWS, 128), 1)
    valid = nflat < _N
    kidx = _iota((_K, 128), 0)

    for i in range(_PAIR):
        gt = gt_ref[i]
        g1 = gtb_ref[i, 0][:, None, :]
        g2 = gtb_ref[i, 1][:, None, :]
        g3 = gtb_ref[i, 2][:, None, :]
        g4 = gtb_ref[i, 3][:, None, :]
        ag = (g3 - g1 + 1.0) * (g4 - g2 + 1.0)
        gx1 = jnp.broadcast_to(g1, (_K, 16, 128))
        gy1 = jnp.broadcast_to(g2, (_K, 16, 128))
        gx2 = jnp.broadcast_to(g3, (_K, 16, 128))
        gy2 = jnp.broadcast_to(g4, (_K, 16, 128))
        area_g = jnp.broadcast_to(ag, (_K, 16, 128))

        fg_parts, bg_parts = [], []
        for c in range(_RROWS // 16):
            sl = slice(c * 16, (c + 1) * 16)
            x1 = coords_ref[i, 0, sl, :]
            y1 = coords_ref[i, 1, sl, :]
            x2 = coords_ref[i, 2, sl, :]
            y2 = coords_ref[i, 3, sl, :]
            area_b = (x2 - x1 + 1.0) * (y2 - y1 + 1.0)
            ltx = jnp.maximum(x1[None], gx1)
            lty = jnp.maximum(y1[None], gy1)
            rbx = jnp.minimum(x2[None], gx2)
            rby = jnp.minimum(y2[None], gy2)
            w = jnp.maximum(rbx - ltx + 1.0, 0.0)
            h = jnp.maximum(rby - lty + 1.0, 0.0)
            inter = w * h
            iou = inter / (area_b[None] + area_g - inter)
            mx = jnp.max(iou, axis=0)
            fg_parts.append(mx > 0.5)
            bg_parts.append((mx < 0.5) & (mx >= 0.1))
        fgb = jnp.concatenate(fg_parts, axis=0) & valid
        bgb = jnp.concatenate(bg_parts, axis=0) & valid
        fgf = fgb.astype(_f32)
        bgf = bgb.astype(_f32)
        fg_cnt = jnp.sum(fgf).astype(_i32)
        bg_cnt = jnp.sum(bgf).astype(_i32)

        both = (fg_cnt > 0) & (bg_cnt > 0)
        n1 = jnp.where(fg_cnt > 0,
                       jnp.where(both, jnp.minimum(fg_cnt, _FG),
                                 jnp.minimum(fg_cnt, _R)),
                       jnp.minimum(bg_cnt, _R))
        n2 = jnp.where(both, jnp.minimum(bg_cnt, _R - n1), 0)
        high1 = jnp.where(fg_cnt > 0, fg_cnt, bg_cnt)
        rng1 = jnp.maximum(high1 - 1, 0)
        rng2 = jnp.maximum(bg_cnt - 1, 0)
        m1 = _mask_bits(rng1)
        m2 = _mask_bits(rng2)

        wds = words_ref[i]
        v1 = jnp.bitwise_and(wds, m1)
        a1 = (v1 <= rng1).astype(_f32)
        c1 = _cumsum_parts(a1, l32, u_lanes)
        p1 = _rank_row(c1, qrow).astype(_i32)
        p1c = jnp.minimum(p1, _T - 1)
        r1 = _gather_row(v1.astype(_f32), p1c).astype(_i32)

        lidx = jnp.minimum(jnp.maximum(n1 - 1, 0), 127)
        last1 = jnp.sum(p1.astype(_f32) *
                        (irow == lidx).astype(_f32)).astype(_i32)
        used1 = jnp.where((rng1 == 0) | (n1 == 0), 0, last1 + 1)

        v2 = jnp.bitwise_and(wds, m2)
        a2 = ((v2 <= rng2) & (tflat >= used1)).astype(_f32)
        c2 = _cumsum_parts(a2, l32, u_lanes)
        p2 = _rank_row(c2, qrow).astype(_i32)
        p2c = jnp.minimum(p2, _T - 1)
        r2 = _gather_row(v2.astype(_f32), p2c).astype(_i32)

        src1 = jnp.where(fg_cnt > 0, fgf, bgf)
        cs1 = _cumsum_parts(src1, l160, u_lanes)
        csbg = _cumsum_parts(bgf, l160, u_lanes)
        pick1 = _rank_row(cs1, (r1 + 1).astype(_f32)).astype(_i32)
        pick2 = _rank_row(csbg, (r2 + 1).astype(_f32)).astype(_i32)

        t = n1 + n2
        tm = jnp.maximum(t, 1)
        q = jnp.floor(irow.astype(_f32) / tm.astype(_f32)).astype(_i32)
        ii = irow - q * tm
        ii = ii + jnp.where(ii < 0, tm, 0)
        ii = ii - jnp.where(ii >= tm, tm, 0)

        eq1 = (_iota((128, 128), 0) == ii).astype(_f32)
        g1p = jnp.dot(pick1.astype(_f32), eq1,
                      preferred_element_type=_f32, precision=_HI)
        idx2 = jnp.maximum(ii - n1, 0)
        eq2 = (_iota((128, 128), 0) == idx2).astype(_f32)
        g2p = jnp.dot(pick2.astype(_f32), eq2,
                      preferred_element_type=_f32, precision=_HI)
        kk = jnp.where(ii < n1, g1p, g2p).astype(_i32)
        kkc = jnp.clip(kk, 0, _N - 1)

        x1s = _gather_row(coords_ref[i, 0], kkc)
        y1s = _gather_row(coords_ref[i, 1], kkc)
        x2s = _gather_row(coords_ref[i, 2], kkc)
        y2s = _gather_row(coords_ref[i, 3], kkc)

        c1g = gt[:, 0:1]
        c2g = gt[:, 1:2]
        c3g = gt[:, 2:3]
        c4g = gt[:, 3:4]
        ag64 = (c3g - c1g + 1.0) * (c4g - c2g + 1.0)
        areas = (x2s - x1s + 1.0) * (y2s - y1s + 1.0)
        ltxs = jnp.maximum(x1s, c1g)
        ltys = jnp.maximum(y1s, c2g)
        rbxs = jnp.minimum(x2s, c3g)
        rbys = jnp.minimum(y2s, c4g)
        ws = jnp.maximum(rbxs - ltxs + 1.0, 0.0)
        hs = jnp.maximum(rbys - ltys + 1.0, 0.0)
        inters = ws * hs
        ious = inters / (areas + ag64 - inters)
        mxs = jnp.max(ious, axis=0, keepdims=True)
        mks = jnp.min(jnp.where(ious == mxs, kidx, _K), axis=0, keepdims=True)

        ohg = (kidx == mks).astype(_f32)
        gsel = jax.lax.dot_general(gt, ohg, _DN0,
                                   preferred_element_type=_f32,
                                   precision=_HI)

        nfg = jnp.where(fg_cnt > 0, n1, 0)
        fgm = (irow < nfg).astype(_f32)
        lab = gsel[4:5, :] * fgm

        ex_w = x2s - x1s + 1.0
        ex_h = y2s - y1s + 1.0
        ex_cx = x1s + 0.5 * ex_w
        ex_cy = y1s + 0.5 * ex_h
        gt_w = gsel[2:3, :] - gsel[0:1, :] + 1.0
        gt_h = gsel[3:4, :] - gsel[1:2, :] + 1.0
        gt_cx = gsel[0:1, :] + 0.5 * gt_w
        gt_cy = gsel[1:2, :] + 0.5 * gt_h
        dx = (gt_cx - ex_cx) / ex_w
        dy = (gt_cy - ex_cy) / ex_h
        dw = jnp.log(gt_w / ex_w)
        dh = jnp.log(gt_h / ex_h)

        pos = (lab > 0).astype(_f32)
        bidx = pl.program_id(0) * _PAIR + i
        brow = jnp.zeros((1, 128), _f32) + bidx.astype(_f32)

        lab_ref[i] = lab
        roisb_ref[i] = jnp.concatenate([brow, x1s, y1s, x2s, y2s], axis=0)
        tgt_ref[i] = jnp.concatenate([dx, dy, dw, dh], axis=0) * pos
        biw_ref[i] = pos
        kkf_ref[i] = kkc + bidx * _N


def kernel(rois, gt_boxes):
    coords = jnp.transpose(rois[:, :, 1:5], (0, 2, 1))
    coords = jnp.pad(coords, ((0, 0), (0, 0), (0, _NP - _N)))
    coords = coords.reshape(_B, 4, _RROWS, 128)
    gtp = jnp.pad(gt_boxes, ((0, 0), (0, 0), (0, 3)))
    gtb = jnp.broadcast_to(
        jnp.transpose(gt_boxes[:, :, :4], (0, 2, 1))[:, :, :, None],
        (_B, 4, _K, 128))
    words = jnp.asarray(_WORDS)

    lab, roisb, tgt, biw, kkf = pl.pallas_call(
        _body,
        grid=(_B // _PAIR,),
        in_specs=[
            pl.BlockSpec((_PAIR, 4, _RROWS, 128), lambda b: (b, 0, 0, 0)),
            pl.BlockSpec((_PAIR, _K, 8), lambda b: (b, 0, 0)),
            pl.BlockSpec((_PAIR, 4, _K, 128), lambda b: (b, 0, 0, 0)),
            pl.BlockSpec((_PAIR, _TROWS, 128), lambda b: (b, 0, 0)),
        ],
        out_specs=[
            pl.BlockSpec((_PAIR, 1, 128), lambda b: (b, 0, 0)),
            pl.BlockSpec((_PAIR, 5, 128), lambda b: (b, 0, 0)),
            pl.BlockSpec((_PAIR, 4, 128), lambda b: (b, 0, 0)),
            pl.BlockSpec((_PAIR, 1, 128), lambda b: (b, 0, 0)),
            pl.BlockSpec((_PAIR, 1, 128), lambda b: (b, 0, 0)),
        ],
        out_shape=[
            jax.ShapeDtypeStruct((_B, 1, 128), _f32),
            jax.ShapeDtypeStruct((_B, 5, 128), _f32),
            jax.ShapeDtypeStruct((_B, 4, 128), _f32),
            jax.ShapeDtypeStruct((_B, 1, 128), _f32),
            jax.ShapeDtypeStruct((_B, 1, 128), _i32),
        ],
    )(coords, gtp, gtb, words)

    table16 = jnp.pad(rois, ((0, 0), (0, 0), (0, 11))).reshape(_B * _N, 16)
    picked = _sc_gather_rows(table16, kkf.reshape(_B * _R))
    picked = picked.reshape(_B, _R, 16)
    brows = jnp.broadcast_to(
        jnp.arange(_B, dtype=_f32)[:, None, None], (_B, _R, 1))
    roisb_sc = jnp.concatenate([brows, picked[:, :, 1:5]], axis=2)

    del roisb
    return (lab[:, 0, :],
            roisb_sc,
            jnp.transpose(tgt, (0, 2, 1)),
            biw[:, 0, :])

# --- scband reference (transcript-rebuilt; emitter-appended) ---
"""Pipeline reference for scband-proposal-target-layer-56856777064455 (READ-ONLY COPY).

The authoritative reference and input builder live on the scoring server;
editing this copy changes nothing except your own understanding.
"""

import jax, jax.numpy as jnp
import numpy as np

FG_THRESHOLD = 0.5
BG_THRESH_HI = 0.5
BG_THRESH_LO = 0.1
ROIS_PER_IMAGE = 128
FG_ROIS_PER_IMAGE = 32
NUM_CLASSES = 21
B, N, K = 8, 20000, 64

_T_RAW = 4096
_RAW_WORDS = np.stack([
    np.random.RandomState(1234 + b).randint(0, 2 ** 32, _T_RAW, dtype=np.uint32)
    for b in range(B)
])


def _make_boxes():
    rng = np.random.RandomState(0)
    gx1 = rng.uniform(0, 480, (B, K)).astype(np.float32)
    gy1 = rng.uniform(0, 480, (B, K)).astype(np.float32)
    gw = rng.uniform(40, 120, (B, K)).astype(np.float32)
    gh = rng.uniform(40, 120, (B, K)).astype(np.float32)
    glab = rng.randint(1, NUM_CLASSES, (B, K)).astype(np.float32)
    gt = np.stack([gx1, gy1, gx1 + gw, gy1 + gh, glab], axis=2)
    rois = np.zeros((B, N, 5), dtype=np.float32)
    rx1 = rng.uniform(0, 550, (B, N)).astype(np.float32)
    ry1 = rng.uniform(0, 550, (B, N)).astype(np.float32)
    rw = rng.uniform(10, 150, (B, N)).astype(np.float32)
    rh = rng.uniform(10, 150, (B, N)).astype(np.float32)
    rois[:, :, 1] = rx1; rois[:, :, 2] = ry1
    rois[:, :, 3] = rx1 + rw; rois[:, :, 4] = ry1 + rh
    # plant guaranteed foreground rois (jittered gt boxes)
    rois[:, :K, 1:5] = gt[:, :, :4] + rng.uniform(-2, 2, (B, K, 4)).astype(np.float32)
    # plant guaranteed background rois (shifted gt boxes, IoU ~0.25-0.35)
    o = K
    for s in (0.5, 0.55, 0.6, 0.65):
        blk = gt[:, :, :4].copy()
        blk[:, :, 0] += s * gw; blk[:, :, 2] += s * gw
        rois[:, o:o + K, 1:5] = blk
        o += K
    rois[:, :, 0] = np.arange(B, dtype=np.float32)[:, None]
    return rois.astype(np.float32), gt.astype(np.float32)


def setup_inputs():
    rois, gt = _make_boxes()
    return {"rois": jnp.asarray(rois), "gt_boxes": jnp.asarray(gt)}


def bbox_overlaps_batch(boxes, gt):
    # boxes: [B, N, 4], gt: [B, K, 4] -> IoU [B, N, K] (+1 pixel convention)
    area_b = (boxes[:, :, 2] - boxes[:, :, 0] + 1.0) * (boxes[:, :, 3] - boxes[:, :, 1] + 1.0)
    area_g = (gt[:, :, 2] - gt[:, :, 0] + 1.0) * (gt[:, :, 3] - gt[:, :, 1] + 1.0)
    lt = jnp.maximum(boxes[:, :, None, :2], gt[:, None, :, :2])
    rb = jnp.minimum(boxes[:, :, None, 2:4], gt[:, None, :, 2:4])
    wh = jnp.clip(rb - lt + 1.0, 0.0)
    inter = wh[..., 0] * wh[..., 1]
    union = area_b[:, :, None] + area_g[:, None, :] - inter
    return inter / union


def bbox_transform_batch(ex_rois, gt_rois):
    ex_w = ex_rois[..., 2] - ex_rois[..., 0] + 1.0
    ex_h = ex_rois[..., 3] - ex_rois[..., 1] + 1.0
    ex_cx = ex_rois[..., 0] + 0.5 * ex_w
    ex_cy = ex_rois[..., 1] + 0.5 * ex_h
    gt_w = gt_rois[..., 2] - gt_rois[..., 0] + 1.0
    gt_h = gt_rois[..., 3] - gt_rois[..., 1] + 1.0
    gt_cx = gt_rois[..., 0] + 0.5 * gt_w
    gt_cy = gt_rois[..., 1] + 0.5 * gt_h
    dx = (gt_cx - ex_cx) / ex_w
    dy = (gt_cy - ex_cy) / ex_h
    dw = jnp.log(gt_w / ex_w)
    dh = jnp.log(gt_h / ex_h)
    return jnp.stack([dx, dy, dw, dh], axis=-1)


def _mask_u32(r):
    m = r
    m = m | (m >> 1)
    m = m | (m >> 2)
    m = m | (m >> 4)
    m = m | (m >> 8)
    m = m | (m >> 16)
    return m


def _sample_one(max_iou_b, matched_b, words):
    pos = jnp.arange(_T_RAW, dtype=jnp.int32)
    fg_m = max_iou_b > FG_THRESHOLD
    bg_m = (max_iou_b < BG_THRESH_HI) & (max_iou_b >= BG_THRESH_LO)
    fg_cnt = jnp.sum(fg_m.astype(jnp.int32))
    bg_cnt = jnp.sum(bg_m.astype(jnp.int32))
    both = (fg_cnt > 0) & (bg_cnt > 0)
    n1 = jnp.where(fg_cnt > 0,
                   jnp.where(both,
                             jnp.minimum(fg_cnt, FG_ROIS_PER_IMAGE),
                             jnp.minimum(fg_cnt, ROIS_PER_IMAGE)),
                   jnp.minimum(bg_cnt, ROIS_PER_IMAGE))
    n2 = jnp.where(both, jnp.minimum(bg_cnt, ROIS_PER_IMAGE - n1), 0)
    high1 = jnp.where(fg_cnt > 0, fg_cnt, bg_cnt)
    rng1 = jnp.maximum(high1 - 1, 0).astype(jnp.uint32)
    rng2 = jnp.maximum(bg_cnt - 1, 0).astype(jnp.uint32)
    m1 = _mask_u32(rng1)
    m2 = _mask_u32(rng2)
    j = jnp.arange(ROIS_PER_IMAGE, dtype=jnp.int32)
    v1 = words & m1
    a1 = (v1 <= rng1).astype(jnp.int32)
    c1 = jnp.cumsum(a1)
    p1 = jnp.searchsorted(c1, j + 1).astype(jnp.int32)
    r1 = jnp.take(v1, p1, mode='clip').astype(jnp.int32)
    last1 = jnp.take(p1, jnp.maximum(n1 - 1, 0), mode='clip')
    used1 = jnp.where((rng1 == 0) | (n1 == 0), 0, last1 + 1)
    v2 = words & m2
    a2 = ((v2 <= rng2) & (pos >= used1)).astype(jnp.int32)
    c2 = jnp.cumsum(a2)
    p2 = jnp.searchsorted(c2, j + 1).astype(jnp.int32)
    r2 = jnp.take(v2, p2, mode='clip').astype(jnp.int32)
    src1 = jnp.where(fg_cnt > 0, fg_m, bg_m)
    cs1 = jnp.cumsum(src1.astype(jnp.int32))
    csbg = jnp.cumsum(bg_m.astype(jnp.int32))
    pick1 = jnp.searchsorted(cs1, r1 + 1).astype(jnp.int32)
    pick2 = jnp.searchsorted(csbg, r2 + 1).astype(jnp.int32)
    i = jnp.arange(ROIS_PER_IMAGE, dtype=jnp.int32)
    t = n1 + n2
    ii = i % jnp.maximum(t, 1)
    k = jnp.where(ii < n1,
                  jnp.take(pick1, ii, mode='clip'),
                  jnp.take(pick2, jnp.maximum(ii - n1, 0), mode='clip'))
    nfg = jnp.where(fg_cnt > 0, n1, 0)
    return k, matched_b[k], nfg


def _sample(rois, gt_boxes):
    overlaps = bbox_overlaps_batch(rois[:, :, 1:5], gt_boxes[:, :, :4])
    max_iou = jnp.max(overlaps, axis=2)
    matched = jnp.argmax(overlaps, axis=2)
    keep, mk, nfg = [], [], []
    for b in range(B):
        words = jnp.asarray(_RAW_WORDS[b])
        kb, mb, nb = _sample_one(max_iou[b], matched[b], words)
        keep.append(kb)
        mk.append(mb)
        nfg.append(nb)
    return jnp.stack(keep), jnp.stack(mk), jnp.stack(nfg)


def reference(rois, gt_boxes):
    keep, mk, nfg = _sample(rois, gt_boxes)
    R = ROIS_PER_IMAGE
    rois_b = jnp.stack([rois[b][keep[b]] for b in range(B)])
    rois_b = rois_b.at[:, :, 0].set(jnp.arange(B, dtype=rois.dtype)[:, None])
    gt_b = jnp.stack([gt_boxes[b][mk[b]] for b in range(B)])
    fgmask = (jnp.arange(R)[None, :] < nfg[:, None]).astype(jnp.float32)
    lab = gt_b[:, :, 4] * fgmask
    targets = bbox_transform_batch(rois_b[:, :, 1:5], gt_b[:, :, :4])
    pos = (lab > 0).astype(jnp.float32)
    bbox_targets = targets * pos[:, :, None]
    bbox_inside_weight = pos * 1.0
    return (lab, rois_b, bbox_targets, bbox_inside_weight)

if __name__ == "__main__":
    import jax
    _d = setup_inputs()
    print(jax.jit(kernel)(*tuple(_d.values())))

</pallas_src>

<mosaic_0001>
#map = affine_map<(d0, d1) -> (0, 0)>
#map1 = affine_map<(d0, d1) -> (0)>
module attributes {stable_mosaic.version = 14 : i64} {
  func.func @k(%arg0: i32, %arg1: i32, %arg2: memref<160000x16xf32, #tpu.memory_space<hbm>>, %arg3: memref<1024xi32, #tpu.memory_space<hbm>>, %arg4: memref<1024x16xf32, #tpu.memory_space<hbm>>, %arg5: memref<32xi32, #tpu.memory_space<vmem>>, %arg6: memref<32x16xf32, #tpu.memory_space<vmem>>, %arg7: memref<!tpu.dma_semaphore, #tpu.memory_space<semaphore_mem>>) attributes {dimension_semantics = [#tpu.dimension_semantics<core_parallel>, #tpu.dimension_semantics<subcore_parallel>], iteration_bounds = array<i64: 2, 16>, scalar_prefetch = 0 : i64, scratch_operands = 3 : i64, tpu.core_type = #tpu.core_type<sc_vector_subcore>, window_params = [{transform_indices = #map}, {transform_indices = #map1}, {transform_indices = #map}]} {
    %mul3A = arith.constant 2 : i32
    %mul3A_0 = arith.muli %arg1, %mul3A : i32
    %add3A = arith.addi %mul3A_0, %arg0 : i32
    %mul3A_1 = arith.constant 32 : i32
    %mul3A_2 = arith.muli %add3A, %mul3A_1 : i32
    "tpu.region"() ({
      %run_scoped3A = tpu.sem_alloc : memref<!tpu.dma_semaphore, #tpu.memory_space<semaphore_mem>>
      %dma_start3A_7 = tpu.memref_slice %arg3[%mul3A_2] : memref<1024xi32, #tpu.memory_space<hbm>> -> memref<32xi32, #tpu.memory_space<hbm>>
      %dma_start3A_8 = tpu.memref_slice %arg3[%mul3A_2] : memref<1024xi32, #tpu.memory_space<hbm>> -> memref<32xi32, #tpu.memory_space<hbm>>
      tpu.enqueue_dma source(%dma_start3A_8 : memref<32xi32, #tpu.memory_space<hbm>>) target(%arg5 : memref<32xi32, #tpu.memory_space<vmem>>) target_semaphore(%run_scoped3A : memref<!tpu.dma_semaphore, #tpu.memory_space<semaphore_mem>>)
      %dma_wait3A_9 = tpu.memref_slice %arg3[%mul3A_2] : memref<1024xi32, #tpu.memory_space<hbm>> -> memref<32xi32, #tpu.memory_space<hbm>>
      %dma_wait3A_10 = tpu.memref_slice %arg3[%mul3A_2] : memref<1024xi32, #tpu.memory_space<hbm>> -> memref<32xi32, #tpu.memory_space<hbm>>
      tpu.wait_dma2 semaphore(%run_scoped3A : memref<!tpu.dma_semaphore, #tpu.memory_space<semaphore_mem>>) src(%dma_wait3A_10 : memref<32xi32, #tpu.memory_space<hbm>>) dst(%arg5 : memref<32xi32, #tpu.memory_space<vmem>>)
      tpu.yield
    }) : () -> ()
    %dma_start3A = arith.constant 0 : i32
    %dma_start3A_3 = arith.constant 0 : i32
    %dma_start3A_4 = tpu.memref_slice %arg2[%dma_start3A, %dma_start3A_3] : memref<160000x16xf32, #tpu.memory_space<hbm>> -> memref<160000x16xf32, #tpu.memory_space<hbm>>
    tpu.enqueue_indirect_dma source(%dma_start3A_4 : memref<160000x16xf32, #tpu.memory_space<hbm>>) target(%arg6 : memref<32x16xf32, #tpu.memory_space<vmem>>) offsets(%arg5 : memref<32xi32, #tpu.memory_space<vmem>>) semaphore(%arg7 : memref<!tpu.dma_semaphore, #tpu.memory_space<semaphore_mem>>)
    %dma_wait3A = arith.constant 0 : i32
    %dma_wait3A_5 = arith.constant 0 : i32
    %dma_wait3A_6 = tpu.memref_slice %arg2[%dma_wait3A, %dma_wait3A_5] : memref<160000x16xf32, #tpu.memory_space<hbm>> -> memref<160000x16xf32, #tpu.memory_space<hbm>>
    tpu.wait_indirect_dma semaphore(%arg7 : memref<!tpu.dma_semaphore, #tpu.memory_space<semaphore_mem>>) src(%dma_wait3A_6 : memref<160000x16xf32, #tpu.memory_space<hbm>>) dst(%arg6 : memref<32x16xf32, #tpu.memory_space<vmem>>)
    "tpu.region"() ({
      %run_scoped3A = tpu.sem_alloc : memref<!tpu.dma_semaphore, #tpu.memory_space<semaphore_mem>>
      %dma_start3A_7 = arith.constant 0 : i32
      %dma_start3A_8 = tpu.memref_slice %arg4[%mul3A_2, %dma_start3A_7] : memref<1024x16xf32, #tpu.memory_space<hbm>> -> memref<32x16xf32, #tpu.memory_space<hbm>>
      %dma_start3A_9 = arith.constant 0 : i32
      %dma_start3A_10 = tpu.memref_slice %arg4[%mul3A_2, %dma_start3A_9] : memref<1024x16xf32, #tpu.memory_space<hbm>> -> memref<32x16xf32, #tpu.memory_space<hbm>>
      tpu.enqueue_dma source(%arg6 : memref<32x16xf32, #tpu.memory_space<vmem>>) target(%dma_start3A_10 : memref<32x16xf32, #tpu.memory_space<hbm>>) target_semaphore(%run_scoped3A : memref<!tpu.dma_semaphore, #tpu.memory_space<semaphore_mem>>)
      %dma_wait3A_11 = arith.constant 0 : i32
      %dma_wait3A_12 = tpu.memref_slice %arg4[%mul3A_2, %dma_wait3A_11] : memref<1024x16xf32, #tpu.memory_space<hbm>> -> memref<32x16xf32, #tpu.memory_space<hbm>>
      %dma_wait3A_13 = arith.constant 0 : i32
      %dma_wait3A_14 = tpu.memref_slice %arg4[%mul3A_2, %dma_wait3A_13] : memref<1024x16xf32, #tpu.memory_space<hbm>> -> memref<32x16xf32, #tpu.memory_space<hbm>>
      tpu.wait_dma2 semaphore(%run_scoped3A : memref<!tpu.dma_semaphore, #tpu.memory_space<semaphore_mem>>) src(%arg6 : memref<32x16xf32, #tpu.memory_space<vmem>>) dst(%dma_wait3A_14 : memref<32x16xf32, #tpu.memory_space<hbm>>)
      tpu.yield
    }) : () -> ()
    return
  }
}

module attributes {stable_mosaic.version = 14 : i64} {
  func.func @_body(%arg0: i32, %arg1: memref<1x4x160x128xf32, #tpu.memory_space<vmem>>, %arg2: memref<1x64x8xf32, #tpu.memory_space<vmem>>, %arg3: memref<1x4x64x128xf32, #tpu.memory_space<vmem>>, %arg4: memref<1x32x128xi32, #tpu.memory_space<vmem>>, %arg5: memref<1x1x128xf32, #tpu.memory_space<vmem>>, %arg6: memref<1x5x128xf32, #tpu.memory_space<vmem>>, %arg7: memref<1x4x128xf32, #tpu.memory_space<vmem>>, %arg8: memref<1x1x128xf32, #tpu.memory_space<vmem>>, %arg9: memref<1x1x128xi32, #tpu.memory_space<vmem>>) attributes {dimension_semantics = [#tpu.dimension_semantics<arbitrary>], iteration_bounds = array<i64: 8>, scalar_prefetch = 0 : i64, scratch_operands = 0 : i64, tpu.core_type = #tpu.core_type<tc>, window_params = [{transform_indices = @transform_0, window_bounds = array<i64: 1, 4, 160, 128>}, {transform_indices = @transform_1, window_bounds = array<i64: 1, 64, 8>}, {transform_indices = @transform_2, window_bounds = array<i64: 1, 4, 64, 128>}, {transform_indices = @transform_3, window_bounds = array<i64: 1, 32, 128>}, {transform_indices = @transform_4, window_bounds = array<i64: 1, 1, 128>}, {transform_indices = @transform_5, window_bounds = array<i64: 1, 5, 128>}, {transform_indices = @transform_6, window_bounds = array<i64: 1, 4, 128>}, {transform_indices = @transform_7, window_bounds = array<i64: 1, 1, 128>}, {transform_indices = @transform_8, window_bounds = array<i64: 1, 1, 128>}]} {
    %iota3A = tpu.iota {dimensions = array<i32: 0>} : vector<128x128xi32>
    %iota3A_0 = tpu.iota {dimensions = array<i32: 1>} : vector<128x128xi32>
    %le3A = arith.cmpi sle, %iota3A, %iota3A_0 : vector<128x128xi32>
    %convert_element_type3A = arith.extui %le3A : vector<128x128xi1> to vector<128x128xi32>
    %convert_element_type3A_1 = arith.sitofp %convert_element_type3A : vector<128x128xi32> to vector<128x128xf32>
    %iota3A_2 = tpu.iota {dimensions = array<i32: 1>} : vector<32x32xi32>
    %iota3A_3 = tpu.iota {dimensions = array<i32: 0>} : vector<32x32xi32>
    %le3A_4 = arith.cmpi sle, %iota3A_2, %iota3A_3 : vector<32x32xi32>
    %convert_element_type3A_5 = arith.extui %le3A_4 : vector<32x32xi1> to vector<32x32xi32>
    %convert_element_type3A_6 = arith.sitofp %convert_element_type3A_5 : vector<32x32xi32> to vector<32x32xf32>
    %iota3A_7 = tpu.iota {dimensions = array<i32: 1>} : vector<160x160xi32>
    %iota3A_8 = tpu.iota {dimensions = array<i32: 0>} : vector<160x160xi32>
    %le3A_9 = arith.cmpi sle, %iota3A_7, %iota3A_8 : vector<160x160xi32>
    %convert_element_type3A_10 = arith.extui %le3A_9 : vector<160x160xi1> to vector<160x160xi32>
    %convert_element_type3A_11 = arith.sitofp %convert_element_type3A_10 : vector<160x160xi32> to vector<160x160xf32>
    %iota3A_12 = tpu.iota {dimensions = array<i32: 1>} : vector<1x128xi32>
    %add3A = arith.constant 1 : i32
    %add3A_13 = vector.broadcast %add3A : i32 to vector<1x128xi32>
    %add3A_14 = arith.addi %iota3A_12, %add3A_13 : vector<1x128xi32>
    %convert_element_type3A_15 = arith.sitofp %add3A_14 : vector<1x128xi32> to vector<1x128xf32>
    %iota3A_16 = tpu.iota {dimensions = array<i32: 1>} : vector<1x128xi32>
    %iota3A_17 = tpu.iota {dimensions = array<i32: 0>} : vector<160x128xi32>
    %mul3A = arith.constant 128 : i32
    %mul3A_18 = vector.broadcast %mul3A : i32 to vector<160x128xi32>
    %mul3A_19 = arith.muli %iota3A_17, %mul3A_18 : vector<160x128xi32>
    %iota3A_20 = tpu.iota {dimensions = array<i32: 1>} : vector<160x128xi32>
    %add3A_21 = arith.addi %mul3A_19, %iota3A_20 : vector<160x128xi32>
    %iota3A_22 = tpu.iota {dimensions = array<i32: 0>} : vector<32x128xi32>
    %mul3A_23 = arith.constant 128 : i32
    %mul3A_24 = vector.broadcast %mul3A_23 : i32 to vector<32x128xi32>
    %mul3A_25 = arith.muli %iota3A_22, %mul3A_24 : vector<32x128xi32>
    %iota3A_26 = tpu.iota {dimensions = array<i32: 1>} : vector<32x128xi32>
    %add3A_27 = arith.addi %mul3A_25, %iota3A_26 : vector<32x128xi32>
    %lt3A = arith.constant 20000 : i32
    %lt3A_28 = vector.broadcast %lt3A : i32 to vector<160x128xi32>
    %lt3A_29 = arith.cmpi slt, %add3A_21, %lt3A_28 : vector<160x128xi32>
    %iota3A_30 = tpu.iota {dimensions = array<i32: 0>} : vector<64x128xi32>
    %get3A = arith.constant 0 : index
    %get3A_31 = arith.constant 0 : index
    %get3A_32 = arith.constant 0 : index
    %get3A_33 = vector.load %arg2[%get3A, %get3A_31, %get3A_32] : memref<1x64x8xf32, #tpu.memory_space<vmem>>, vector<1x64x8xf32>
    %get3A_34 = vector.shape_cast %get3A_33 : vector<1x64x8xf32> to vector<64x8xf32>
    %get3A_35 = arith.constant 0 : index
    %get3A_36 = arith.constant 0 : index
    %get3A_37 = arith.constant 0 : index
    %get3A_38 = arith.constant 0 : index
    %get3A_39 = vector.load %arg3[%get3A_35, %get3A_36, %get3A_37, %get3A_38] : memref<1x4x64x128xf32, #tpu.memory_space<vmem>>, vector<1x1x64x128xf32>
    %get3A_40 = vector.shape_cast %get3A_39 : vector<1x1x64x128xf32> to vector<64x128xf32>
    %broadcast_in_dim3A = vector.shape_cast %get3A_40 : vector<64x128xf32> to vector<64x1x128xf32>
    %get3A_41 = arith.constant 0 : index
    %get3A_42 = arith.constant 1 : index
    %get3A_43 = arith.constant 0 : index
    %get3A_44 = arith.constant 0 : index
    %get3A_45 = vector.load %arg3[%get3A_41, %get3A_42, %get3A_43, %get3A_44] : memref<1x4x64x128xf32, #tpu.memory_space<vmem>>, vector<1x1x64x128xf32>
    %get3A_46 = vector.shape_cast %get3A_45 : vector<1x1x64x128xf32> to vector<64x128xf32>
    %broadcast_in_dim3A_47 = vector.shape_cast %get3A_46 : vector<64x128xf32> to vector<64x1x128xf32>
    %get3A_48 = arith.constant 0 : index
    %get3A_49 = arith.constant 2 : index
    %get3A_50 = arith.constant 0 : index
    %get3A_51 = arith.constant 0 : index
    %get3A_52 = vector.load %arg3[%get3A_48, %get3A_49, %get3A_50, %get3A_51] : memref<1x4x64x128xf32, #tpu.memory_space<vmem>>, vector<1x1x64x128xf32>
    %get3A_53 = vector.shape_cast %get3A_52 : vector<1x1x64x128xf32> to vector<64x128xf32>
    %broadcast_in_dim3A_54 = vector.shape_cast %get3A_53 : vector<64x128xf32> to vector<64x1x128xf32>
    %get3A_55 = arith.constant 0 : index
    %get3A_56 = arith.constant 3 : index
    %get3A_57 = arith.constant 0 : index
    %get3A_58 = arith.constant 0 : index
    %get3A_59 = vector.load %arg3[%get3A_55, %get3A_56, %get3A_57, %get3A_58] : memref<1x4x64x128xf32, #tpu.memory_space<vmem>>, vector<1x1x64x128xf32>
    %get3A_60 = vector.shape_cast %get3A_59 : vector<1x1x64x128xf32> to vector<64x128xf32>
    %broadcast_in_dim3A_61 = vector.shape_cast %get3A_60 : vector<64x128xf32> to vector<64x1x128xf32>
    %sub3A = arith.subf %broadcast_in_dim3A_54, %broadcast_in_dim3A : vector<64x1x128xf32>
    %add3A_62 = arith.constant 1.000000e+00 : f32
    %add3A_63 = vector.broadcast %add3A_62 : f32 to vector<64x1x128xf32>
    %add3A_64 = arith.addf %sub3A, %add3A_63 : vector<64x1x128xf32>
    %sub3A_65 = arith.subf %broadcast_in_dim3A_61, %broadcast_in_dim3A_47 : vector<64x1x128xf32>
    %add3A_66 = arith.constant 1.000000e+00 : f32
    %add3A_67 = vector.broadcast %add3A_66 : f32 to vector<64x1x128xf32>
    %add3A_68 = arith.addf %sub3A_65, %add3A_67 : vector<64x1x128xf32>
    %mul3A_69 = arith.mulf %add3A_64, %add3A_68 : vector<64x1x128xf32>
    %broadcast_in_dim3A_70 = vector.shape_cast %broadcast_in_dim3A : vector<64x1x128xf32> to vector<64x1x128xf32>
    %broadcast_in_dim3A_71 = vector.broadcast %broadcast_in_dim3A_70 : vector<64x1x128xf32> to vector<64x16x128xf32>
    %broadcast_in_dim3A_72 = vector.shape_cast %broadcast_in_dim3A_47 : vector<64x1x128xf32> to vector<64x1x128xf32>
    %broadcast_in_dim3A_73 = vector.broadcast %broadcast_in_dim3A_72 : vector<64x1x128xf32> to vector<64x16x128xf32>
    %broadcast_in_dim3A_74 = vector.shape_cast %broadcast_in_dim3A_54 : vector<64x1x128xf32> to vector<64x1x128xf32>
    %broadcast_in_dim3A_75 = vector.broadcast %broadcast_in_dim3A_74 : vector<64x1x128xf32> to vector<64x16x128xf32>
    %broadcast_in_dim3A_76 = vector.shape_cast %broadcast_in_dim3A_61 : vector<64x1x128xf32> to vector<64x1x128xf32>
    %broadcast_in_dim3A_77 = vector.broadcast %broadcast_in_dim3A_76 : vector<64x1x128xf32> to vector<64x16x128xf32>
    %broadcast_in_dim3A_78 = vector.shape_cast %mul3A_69 : vector<64x1x128xf32> to vector<64x1x128xf32>
    %broadcast_in_dim3A_79 = vector.broadcast %broadcast_in_dim3A_78 : vector<64x1x128xf32> to vector<64x16x128xf32>
    %get3A_80 = arith.constant 0 : index
    %get3A_81 = arith.constant 0 : index
    %get3A_82 = arith.constant 0 : index
    %get3A_83 = arith.constant 0 : index
    %get3A_84 = vector.load %arg1[%get3A_80, %get3A_81, %get3A_82, %get3A_83] : memref<1x4x160x128xf32, #tpu.memory_space<vmem>>, vector<1x1x16x128xf32>
    %get3A_85 = vector.shape_cast %get3A_84 : vector<1x1x16x128xf32> to vector<16x128xf32>
    %get3A_86 = arith.constant 0 : index
    %get3A_87 = arith.constant 1 : index
    %get3A_88 = arith.constant 0 : index
    %get3A_89 = arith.constant 0 : index
    %get3A_90 = vector.load %arg1[%get3A_86, %get3A_87, %get3A_88, %get3A_89] : memref<1x4x160x128xf32, #tpu.memory_space<vmem>>, vector<1x1x16x128xf32>
    %get3A_91 = vector.shape_cast %get3A_90 : vector<1x1x16x128xf32> to vector<16x128xf32>
    %get3A_92 = arith.constant 0 : index
    %get3A_93 = arith.constant 2 : index
    %get3A_94 = arith.constant 0 : index
    %get3A_95 = arith.constant 0 : index
    %get3A_96 = vector.load %arg1[%get3A_92, %get3A_93, %get3A_94, %get3A_95] : memref<1x4x160x128xf32, #tpu.memory_space<vmem>>, vector<1x1x16x128xf32>
    %get3A_97 = vector.shape_cast %get3A_96 : vector<1x1x16x128xf32> to vector<16x128xf32>
    %get3A_98 = arith.constant 0 : index
    %get3A_99 = arith.constant 3 : index
    %get3A_100 = arith.constant 0 : index
    %get3A_101 = arith.constant 0 : index
    %get3A_102 = vector.load %arg1[%get3A_98, %get3A_99, %get3A_100, %get3A_101] : memref<1x4x160x128xf32, #tpu.memory_space<vmem>>, vector<1x1x16x128xf32>
    %get3A_103 = vector.shape_cast %get3A_102 : vector<1x1x16x128xf32> to vector<16x128xf32>
    %sub3A_104 = arith.subf %get3A_97, %get3A_85 : vector<16x128xf32>
    %add3A_105 = arith.constant 1.000000e+00 : f32
    %add3A_106 = vector.broadcast %add3A_105 : f32 to vector<16x128xf32>
    %add3A_107 = arith.addf %sub3A_104, %add3A_106 : vector<16x128xf32>
    %sub3A_108 = arith.subf %get3A_103, %get3A_91 : vector<16x128xf32>
    %add3A_109 = arith.constant 1.000000e+00 : f32
    %add3A_110 = vector.broadcast %add3A_109 : f32 to vector<16x128xf32>
    %add3A_111 = arith.addf %sub3A_108, %add3A_110 : vector<16x128xf32>
    %mul3A_112 = arith.mulf %add3A_107, %add3A_111 : vector<16x128xf32>
    %broadcast_in_dim3A_113 = vector.shape_cast %get3A_85 : vector<16x128xf32> to vector<1x16x128xf32>
    %max3A = vector.broadcast %broadcast_in_dim3A_113 : vector<1x16x128xf32> to vector<64x16x128xf32>
    %max3A_114 = arith.maximumf %max3A, %broadcast_in_dim3A_71 : vector<64x16x128xf32>
    %broadcast_in_dim3A_115 = vector.shape_cast %get3A_91 : vector<16x128xf32> to vector<1x16x128xf32>
    %max3A_116 = vector.broadcast %broadcast_in_dim3A_115 : vector<1x16x128xf32> to vector<64x16x128xf32>
    %max3A_117 = arith.maximumf %max3A_116, %broadcast_in_dim3A_73 : vector<64x16x128xf32>
    %broadcast_in_dim3A_118 = vector.shape_cast %get3A_97 : vector<16x128xf32> to vector<1x16x128xf32>
    %min3A = vector.broadcast %broadcast_in_dim3A_118 : vector<1x16x128xf32> to vector<64x16x128xf32>
    %min3A_119 = arith.minimumf %min3A, %broadcast_in_dim3A_75 : vector<64x16x128xf32>
    %broadcast_in_dim3A_120 = vector.shape_cast %get3A_103 : vector<16x128xf32> to vector<1x16x128xf32>
    %min3A_121 = vector.broadcast %broadcast_in_dim3A_120 : vector<1x16x128xf32> to vector<64x16x128xf32>
    %min3A_122 = arith.minimumf %min3A_121, %broadcast_in_dim3A_77 : vector<64x16x128xf32>
    %sub3A_123 = arith.subf %min3A_119, %max3A_114 : vector<64x16x128xf32>
    %add3A_124 = arith.constant 1.000000e+00 : f32
    %add3A_125 = vector.broadcast %add3A_124 : f32 to vector<64x16x128xf32>
    %add3A_126 = arith.addf %sub3A_123, %add3A_125 : vector<64x16x128xf32>
    %max3A_127 = arith.constant 0.000000e+00 : f32
    %max3A_128 = vector.broadcast %max3A_127 : f32 to vector<64x16x128xf32>
    %max3A_129 = arith.maximumf %add3A_126, %max3A_128 : vector<64x16x128xf32>
    %sub3A_130 = arith.subf %min3A_122, %max3A_117 : vector<64x16x128xf32>
    %add3A_131 = arith.constant 1.000000e+00 : f32
    %add3A_132 = vector.broadcast %add3A_131 : f32 to vector<64x16x128xf32>
    %add3A_133 = arith.addf %sub3A_130, %add3A_132 : vector<64x16x128xf32>
    %max3A_134 = arith.constant 0.000000e+00 : f32
    %max3A_135 = vector.broadcast %max3A_134 : f32 to vector<64x16x128xf32>
    %max3A_136 = arith.maximumf %add3A_133, %max3A_135 : vector<64x16x128xf32>
    %mul3A_137 = arith.mulf %max3A_129, %max3A_136 : vector<64x16x128xf32>
    %broadcast_in_dim3A_138 = vector.shape_cast %mul3A_112 : vector<16x128xf32> to vector<1x16x128xf32>
    %add3A_139 = vector.broadcast %broadcast_in_dim3A_138 : vector<1x16x128xf32> to vector<64x16x128xf32>
    %add3A_140 = arith.addf %add3A_139, %broadcast_in_dim3A_79 : vector<64x16x128xf32>
    %sub3A_141 = arith.subf %add3A_140, %mul3A_137 : vector<64x16x128xf32>
    %div3A = arith.divf %mul3A_137, %sub3A_141 : vector<64x16x128xf32>
    %reduce_max3A = arith.constant dense<0xFF800000> : vector<16x128xf32>
    %reduce_max3A_142 = vector.multi_reduction <maximumf>, %div3A, %reduce_max3A [0] : vector<64x16x128xf32> to vector<16x128xf32>
    %gt3A = arith.constant 5.000000e-01 : f32
    %gt3A_143 = vector.broadcast %gt3A : f32 to vector<16x128xf32>
    %gt3A_144 = arith.cmpf ogt, %reduce_max3A_142, %gt3A_143 : vector<16x128xf32>
    %lt3A_145 = arith.constant 5.000000e-01 : f32
    %lt3A_146 = vector.broadcast %lt3A_145 : f32 to vector<16x128xf32>
    %lt3A_147 = arith.cmpf olt, %reduce_max3A_142, %lt3A_146 : vector<16x128xf32>
    %ge3A = arith.constant 1.000000e-01 : f32
    %ge3A_148 = vector.broadcast %ge3A : f32 to vector<16x128xf32>
    %ge3A_149 = arith.cmpf oge, %reduce_max3A_142, %ge3A_148 : vector<16x128xf32>
    %and3A = arith.andi %lt3A_147, %ge3A_149 : vector<16x128xi1>
    %get3A_150 = arith.constant 0 : index
    %get3A_151 = arith.constant 0 : index
    %get3A_152 = arith.constant 16 : index
    %get3A_153 = arith.constant 0 : index
    %get3A_154 = vector.load %arg1[%get3A_150, %get3A_151, %get3A_152, %get3A_153] : memref<1x4x160x128xf32, #tpu.memory_space<vmem>>, vector<1x1x16x128xf32>
    %get3A_155 = vector.shape_cast %get3A_154 : vector<1x1x16x128xf32> to vector<16x128xf32>
    %get3A_156 = arith.constant 0 : index
    %get3A_157 = arith.constant 1 : index
    %get3A_158 = arith.constant 16 : index
    %get3A_159 = arith.constant 0 : index
    %get3A_160 = vector.load %arg1[%get3A_156, %get3A_157, %get3A_158, %get3A_159] : memref<1x4x160x128xf32, #tpu.memory_space<vmem>>, vector<1x1x16x128xf32>
    %get3A_161 = vector.shape_cast %get3A_160 : vector<1x1x16x128xf32> to vector<16x128xf32>
    %get3A_162 = arith.constant 0 : index
    %get3A_163 = arith.constant 2 : index
    %get3A_164 = arith.constant 16 : index
    %get3A_165 = arith.constant 0 : index
    %get3A_166 = vector.load %arg1[%get3A_162, %get3A_163, %get3A_164, %get3A_165] : memref<1x4x160x128xf32, #tpu.memory_space<vmem>>, vector<1x1x16x128xf32>
    %get3A_167 = vector.shape_cast %get3A_166 : vector<1x1x16x128xf32> to vector<16x128xf32>
    %get3A_168 = arith.constant 0 : index
    %get3A_169 = arith.constant 3 : index
    %get3A_170 = arith.constant 16 : index
    %get3A_171 = arith.constant 0 : index
    %get3A_172 = vector.load %arg1[%get3A_168, %get3A_169, %get3A_170, %get3A_171] : memref<1x4x160x128xf32, #tpu.memory_space<vmem>>, vector<1x1x16x128xf32>
    %get3A_173 = vector.shape_cast %get3A_172 : vector<1x1x16x128xf32> to vector<16x128xf32>
    %sub3A_174 = arith.subf %get3A_167, %get3A_155 : vector<16x128xf32>
    %add3A_175 = arith.constant 1.000000e+00 : f32
    %add3A_176 = vector.broadcast %add3A_175 : f32 to vector<16x128xf32>
    %add3A_177 = arith.addf %sub3A_174, %add3A_176 : vector<16x128xf32>
    %sub3A_178 = arith.subf %get3A_173, %get3A_161 : vector<16x128xf32>
    %add3A_179 = arith.constant 1.000000e+00 : f32
    %add3A_180 = vector.broadcast %add3A_179 : f32 to vector<16x128xf32>
    %add3A_181 = arith.addf %sub3A_178, %add3A_180 : vector<16x128xf32>
    %mul3A_182 = arith.mulf %add3A_177, %add3A_181 : vector<16x128xf32>
    %broadcast_in_dim3A_183 = vector.shape_cast %get3A_155 : vector<16x128xf32> to vector<1x16x128xf32>
    %max3A_184 = vector.broadcast %broadcast_in_dim3A_183 : vector<1x16x128xf32> to vector<64x16x128xf32>
    %max3A_185 = arith.maximumf %max3A_184, %broadcast_in_dim3A_71 : vector<64x16x128xf32>
    %broadcast_in_dim3A_186 = vector.shape_cast %get3A_161 : vector<16x128xf32> to vector<1x16x128xf32>
    %max3A_187 = vector.broadcast %broadcast_in_dim3A_186 : vector<1x16x128xf32> to vector<64x16x128xf32>
    %max3A_188 = arith.maximumf %max3A_187, %broadcast_in_dim3A_73 : vector<64x16x128xf32>
    %broadcast_in_dim3A_189 = vector.shape_cast %get3A_167 : vector<16x128xf32> to vector<1x16x128xf32>
    %min3A_190 = vector.broadcast %broadcast_in_dim3A_189 : vector<1x16x128xf32> to vector<64x16x128xf32>
    %min3A_191 = arith.minimumf %min3A_190, %broadcast_in_dim3A_75 : vector<64x16x128xf32>
    %broadcast_in_dim3A_192 = vector.shape_cast %get3A_173 : vector<16x128xf32> to vector<1x16x128xf32>
    %min3A_193 = vector.broadcast %broadcast_in_dim3A_192 : vector<1x16x128xf32> to vector<64x16x128xf32>
    %min3A_194 = arith.minimumf %min3A_193, %broadcast_in_dim3A_77 : vector<64x16x128xf32>
    %sub3A_195 = arith.subf %min3A_191, %max3A_185 : vector<64x16x128xf32>
    %add3A_196 = arith.constant 1.000000e+00 : f32
    %add3A_197 = vector.broadcast %add3A_196 : f32 to vector<64x16x128xf32>
    %add3A_198 = arith.addf %sub3A_195, %add3A_197 : vector<64x16x128xf32>
    %max3A_199 = arith.constant 0.000000e+00 : f32
    %max3A_200 = vector.broadcast %max3A_199 : f32 to vector<64x16x128xf32>
    %max3A_201 = arith.maximumf %add3A_198, %max3A_200 : vector<64x16x128xf32>
    %sub3A_202 = arith.subf %min3A_194, %max3A_188 : vector<64x16x128xf32>
    %add3A_203 = arith.constant 1.000000e+00 : f32
    %add3A_204 = vector.broadcast %add3A_203 : f32 to vector<64x16x128xf32>
    %add3A_205 = arith.addf %sub3A_202, %add3A_204 : vector<64x16x128xf32>
    %max3A_206 = arith.constant 0.000000e+00 : f32
    %max3A_207 = vector.broadcast %max3A_206 : f32 to vector<64x16x128xf32>
    %max3A_208 = arith.maximumf %add3A_205, %max3A_207 : vector<64x16x128xf32>
    %mul3A_209 = arith.mulf %max3A_201, %max3A_208 : vector<64x16x128xf32>
    %broadcast_in_dim3A_210 = vector.shape_cast %mul3A_182 : vector<16x128xf32> to vector<1x16x128xf32>
    %add3A_211 = vector.broadcast %broadcast_in_dim3A_210 : vector<1x16x128xf32> to vector<64x16x128xf32>
    %add3A_212 = arith.addf %add3A_211, %broadcast_in_dim3A_79 : vector<64x16x128xf32>
    %sub3A_213 = arith.subf %add3A_212, %mul3A_209 : vector<64x16x128xf32>
    %div3A_214 = arith.divf %mul3A_209, %sub3A_213 : vector<64x16x128xf32>
    %reduce_max3A_215 = arith.constant dense<0xFF800000> : vector<16x128xf32>
    %reduce_max3A_216 = vector.multi_reduction <maximumf>, %div3A_214, %reduce_max3A_215 [0] : vector<64x16x128xf32> to vector<16x128xf32>
    %gt3A_217 = arith.constant 5.000000e-01 : f32
    %gt3A_218 = vector.broadcast %gt3A_217 : f32 to vector<16x128xf32>
    %gt3A_219 = arith.cmpf ogt, %reduce_max3A_216, %gt3A_218 : vector<16x128xf32>
    %lt3A_220 = arith.constant 5.000000e-01 : f32
    %lt3A_221 = vector.broadcast %lt3A_220 : f32 to vector<16x128xf32>
    %lt3A_222 = arith.cmpf olt, %reduce_max3A_216, %lt3A_221 : vector<16x128xf32>
    %ge3A_223 = arith.constant 1.000000e-01 : f32
    %ge3A_224 = vector.broadcast %ge3A_223 : f32 to vector<16x128xf32>
    %ge3A_225 = arith.cmpf oge, %reduce_max3A_216, %ge3A_224 : vector<16x128xf32>
    %and3A_226 = arith.andi %lt3A_222, %ge3A_225 : vector<16x128xi1>
    %get3A_227 = arith.constant 0 : index
    %get3A_228 = arith.constant 0 : index
    %get3A_229 = arith.constant 32 : index
    %get3A_230 = arith.constant 0 : index
    %get3A_231 = vector.load %arg1[%get3A_227, %get3A_228, %get3A_229, %get3A_230] : memref<1x4x160x128xf32, #tpu.memory_space<vmem>>, vector<1x1x16x128xf32>
    %get3A_232 = vector.shape_cast %get3A_231 : vector<1x1x16x128xf32> to vector<16x128xf32>
    %get3A_233 = arith.constant 0 : index
    %get3A_234 = arith.constant 1 : index
    %get3A_235 = arith.constant 32 : index
    %get3A_236 = arith.constant 0 : index
    %get3A_237 = vector.load %arg1[%get3A_233, %get3A_234, %get3A_235, %get3A_236] : memref<1x4x160x128xf32, #tpu.memory_space<vmem>>, vector<1x1x16x128xf32>
    %get3A_238 = vector.shape_cast %get3A_237 : vector<1x1x16x128xf32> to vector<16x128xf32>
    %get3A_239 = arith.constant 0 : index
    %get3A_240 = arith.constant 2 : index
    %get3A_241 = arith.constant 32 : index
    %get3A_242 = arith.constant 0 : index
    %get3A_243 = vector.load %arg1[%get3A_239, %get3A_240, %get3A_241, %get3A_242] : memref<1x4x160x128xf32, #tpu.memory_space<vmem>>, vector<1x1x16x128xf32>
    %get3A_244 = vector.shape_cast %get3A_243 : vector<1x1x16x128xf32> to vector<16x128xf32>
    %get3A_245 = arith.constant 0 : index
    %get3A_246 = arith.constant 3 : index
    %get3A_247 = arith.constant 32 : index
    %get3A_248 = arith.constant 0 : index
    %get3A_249 = vector.load %arg1[%get3A_245, %get3A_246, %get3A_247, %get3A_248] : memref<1x4x160x128xf32, #tpu.memory_space<vmem>>, vector<1x1x16x128xf32>
    %get3A_250 = vector.shape_cast %get3A_249 : vector<1x1x16x128xf32> to vector<16x128xf32>
    %sub3A_251 = arith.subf %get3A_244, %get3A_232 : vector<16x128xf32>
    %add3A_252 = arith.constant 1.000000e+00 : f32
    %add3A_253 = vector.broadcast %add3A_252 : f32 to vector<16x128xf32>
    %add3A_254 = arith.addf %sub3A_251, %add3A_253 : vector<16x128xf32>
    %sub3A_255 = arith.subf %get3A_250, %get3A_238 : vector<16x128xf32>
    %add3A_256 = arith.constant 1.000000e+00 : f32
    %add3A_257 = vector.broadcast %add3A_256 : f32 to vector<16x128xf32>
    %add3A_258 = arith.addf %sub3A_255, %add3A_257 : vector<16x128xf32>
    %mul3A_259 = arith.mulf %add3A_254, %add3A_258 : vector<16x128xf32>
    %broadcast_in_dim3A_260 = vector.shape_cast %get3A_232 : vector<16x128xf32> to vector<1x16x128xf32>
    %max3A_261 = vector.broadcast %broadcast_in_dim3A_260 : vector<1x16x128xf32> to vector<64x16x128xf32>
    %max3A_262 = arith.maximumf %max3A_261, %broadcast_in_dim3A_71 : vector<64x16x128xf32>
    %broadcast_in_dim3A_263 = vector.shape_cast %get3A_238 : vector<16x128xf32> to vector<1x16x128xf32>
    %max3A_264 = vector.broadcast %broadcast_in_dim3A_263 : vector<1x16x128xf32> to vector<64x16x128xf32>
    %max3A_265 = arith.maximumf %max3A_264, %broadcast_in_dim3A_73 : vector<64x16x128xf32>
    %broadcast_in_dim3A_266 = vector.shape_cast %get3A_244 : vector<16x128xf32> to vector<1x16x128xf32>
    %min3A_267 = vector.broadcast %broadcast_in_dim3A_266 : vector<1x16x128xf32> to vector<64x16x128xf32>
    %min3A_268 = arith.minimumf %min3A_267, %broadcast_in_dim3A_75 : vector<64x16x128xf32>
    %broadcast_in_dim3A_269 = vector.shape_cast %get3A_250 : vector<16x128xf32> to vector<1x16x128xf32>
    %min3A_270 = vector.broadcast %broadcast_in_dim3A_269 : vector<1x16x128xf32> to vector<64x16x128xf32>
    %min3A_271 = arith.minimumf %min3A_270, %broadcast_in_dim3A_77 : vector<64x16x128xf32>
    %sub3A_272 = arith.subf %min3A_268, %max3A_262 : vector<64x16x128xf32>
    %add3A_273 = arith.constant 1.000000e+00 : f32
    %add3A_274 = vector.broadcast %add3A_273 : f32 to vector<64x16x128xf32>
    %add3A_275 = arith.addf %sub3A_272, %add3A_274 : vector<64x16x128xf32>
    %max3A_276 = arith.constant 0.000000e+00 : f32
    %max3A_277 = vector.broadcast %max3A_276 : f32 to vector<64x16x128xf32>
    %max3A_278 = arith.maximumf %add3A_275, %max3A_277 : vector<64x16x128xf32>
    %sub3A_279 = arith.subf %min3A_271, %max3A_265 : vector<64x16x128xf32>
    %add3A_280 = arith.constant 1.000000e+00 : f32
    %add3A_281 = vector.broadcast %add3A_280 : f32 to vector<64x16x128xf32>
    %add3A_282 = arith.addf %sub3A_279, %add3A_281 : vector<64x16x128xf32>
    %max3A_283 = arith.constant 0.000000e+00 : f32
    %max3A_284 = vector.broadcast %max3A_283 : f32 to vector<64x16x128xf32>
    %max3A_285 = arith.maximumf %add3A_282, %max3A_284 : vector<64x16x128xf32>
    %mul3A_286 = arith.mulf %max3A_278, %max3A_285 : vector<64x16x128xf32>
    %broadcast_in_dim3A_287 = vector.shape_cast %mul3A_259 : vector<16x128xf32> to vector<1x16x128xf32>
    %add3A_288 = vector.broadcast %broadcast_in_dim3A_287 : vector<1x16x128xf32> to vector<64x16x128xf32>
    %add3A_289 = arith.addf %add3A_288, %broadcast_in_dim3A_79 : vector<64x16x128xf32>
    %sub3A_290 = arith.subf %add3A_289, %mul3A_286 : vector<64x16x128xf32>
    %div3A_291 = arith.divf %mul3A_286, %sub3A_290 : vector<64x16x128xf32>
    %reduce_max3A_292 = arith.constant dense<0xFF800000> : vector<16x128xf32>
    %reduce_max3A_293 = vector.multi_reduction <maximumf>, %div3A_291, %reduce_max3A_292 [0] : vector<64x16x128xf32> to vector<16x128xf32>
    %gt3A_294 = arith.constant 5.000000e-01 : f32
    %gt3A_295 = vector.broadcast %gt3A_294 : f32 to vector<16x128xf32>
    %gt3A_296 = arith.cmpf ogt, %reduce_max3A_293, %gt3A_295 : vector<16x128xf32>
    %lt3A_297 = arith.constant 5.000000e-01 : f32
    %lt3A_298 = vector.broadcast %lt3A_297 : f32 to vector<16x128xf32>
    %lt3A_299 = arith.cmpf olt, %reduce_max3A_293, %lt3A_298 : vector<16x128xf32>
    %ge3A_300 = arith.constant 1.000000e-01 : f32
    %ge3A_301 = vector.broadcast %ge3A_300 : f32 to vector<16x128xf32>
    %ge3A_302 = arith.cmpf oge, %reduce_max3A_293, %ge3A_301 : vector<16x128xf32>
    %and3A_303 = arith.andi %lt3A_299, %ge3A_302 : vector<16x128xi1>
    %get3A_304 = arith.constant 0 : index
    %get3A_305 = arith.constant 0 : index
    %get3A_306 = arith.constant 48 : index
    %get3A_307 = arith.constant 0 : index
    %get3A_308 = vector.load %arg1[%get3A_304, %get3A_305, %get3A_306, %get3A_307] : memref<1x4x160x128xf32, #tpu.memory_space<vmem>>, vector<1x1x16x128xf32>
    %get3A_309 = vector.shape_cast %get3A_308 : vector<1x1x16x128xf32> to vector<16x128xf32>
    %get3A_310 = arith.constant 0 : index
    %get3A_311 = arith.constant 1 : index
    %get3A_312 = arith.constant 48 : index
    %get3A_313 = arith.constant 0 : index
    %get3A_314 = vector.load %arg1[%get3A_310, %get3A_311, %get3A_312, %get3A_313] : memref<1x4x160x128xf32, #tpu.memory_space<vmem>>, vector<1x1x16x128xf32>
    %get3A_315 = vector.shape_cast %get3A_314 : vector<1x1x16x128xf32> to vector<16x128xf32>
    %get3A_316 = arith.constant 0 : index
    %get3A_317 = arith.constant 2 : index
    %get3A_318 = arith.constant 48 : index
    %get3A_319 = arith.constant 0 : index
    %get3A_320 = vector.load %arg1[%get3A_316, %get3A_317, %get3A_318, %get3A_319] : memref<1x4x160x128xf32, #tpu.memory_space<vmem>>, vector<1x1x16x128xf32>
    %get3A_321 = vector.shape_cast %get3A_320 : vector<1x1x16x128xf32> to vector<16x128xf32>
    %get3A_322 = arith.constant 0 : index
    %get3A_323 = arith.constant 3 : index
    %get3A_324 = arith.constant 48 : index
    %get3A_325 = arith.constant 0 : index
    %get3A_326 = vector.load %arg1[%get3A_322, %get3A_323, %get3A_324, %get3A_325] : memref<1x4x160x128xf32, #tpu.memory_space<vmem>>, vector<1x1x16x128xf32>
    %get3A_327 = vector.shape_cast %get3A_326 : vector<1x1x16x128xf32> to vector<16x128xf32>
    %sub3A_328 = arith.subf %get3A_321, %get3A_309 : vector<16x128xf32>
    %add3A_329 = arith.constant 1.000000e+00 : f32
    %add3A_330 = vector.broadcast %add3A_329 : f32 to vector<16x128xf32>
    %add3A_331 = arith.addf %sub3A_328, %add3A_330 : vector<16x128xf32>
    %sub3A_332 = arith.subf %get3A_327, %get3A_315 : vector<16x128xf32>
    %add3A_333 = arith.constant 1.000000e+00 : f32
    %add3A_334 = vector.broadcast %add3A_333 : f32 to vector<16x128xf32>
    %add3A_335 = arith.addf %sub3A_332, %add3A_334 : vector<16x128xf32>
    %mul3A_336 = arith.mulf %add3A_331, %add3A_335 : vector<16x128xf32>
    %broadcast_in_dim3A_337 = vector.shape_cast %get3A_309 : vector<16x128xf32> to vector<1x16x128xf32>
    %max3A_338 = vector.broadcast %broadcast_in_dim3A_337 : vector<1x16x128xf32> to vector<64x16x128xf32>
    %max3A_339 = arith.maximumf %max3A_338, %broadcast_in_dim3A_71 : vector<64x16x128xf32>
    %broadcast_in_dim3A_340 = vector.shape_cast %get3A_315 : vector<16x128xf32> to vector<1x16x128xf32>
    %max3A_341 = vector.broadcast %broadcast_in_dim3A_340 : vector<1x16x128xf32> to vector<64x16x128xf32>
    %max3A_342 = arith.maximumf %max3A_341, %broadcast_in_dim3A_73 : vector<64x16x128xf32>
    %broadcast_in_dim3A_343 = vector.shape_cast %get3A_321 : vector<16x128xf32> to vector<1x16x128xf32>
    %min3A_344 = vector.broadcast %broadcast_in_dim3A_343 : vector<1x16x128xf32> to vector<64x16x128xf32>
    %min3A_345 = arith.minimumf %min3A_344, %broadcast_in_dim3A_75 : vector<64x16x128xf32>
    %broadcast_in_dim3A_346 = vector.shape_cast %get3A_327 : vector<16x128xf32> to vector<1x16x128xf32>
    %min3A_347 = vector.broadcast %broadcast_in_dim3A_346 : vector<1x16x128xf32> to vector<64x16x128xf32>
    %min3A_348 = arith.minimumf %min3A_347, %broadcast_in_dim3A_77 : vector<64x16x128xf32>
    %sub3A_349 = arith.subf %min3A_345, %max3A_339 : vector<64x16x128xf32>
    %add3A_350 = arith.constant 1.000000e+00 : f32
    %add3A_351 = vector.broadcast %add3A_350 : f32 to vector<64x16x128xf32>
    %add3A_352 = arith.addf %sub3A_349, %add3A_351 : vector<64x16x128xf32>
    %max3A_353 = arith.constant 0.000000e+00 : f32
    %max3A_354 = vector.broadcast %max3A_353 : f32 to vector<64x16x128xf32>
    %max3A_355 = arith.maximumf %add3A_352, %max3A_354 : vector<64x16x128xf32>
    %sub3A_356 = arith.subf %min3A_348, %max3A_342 : vector<64x16x128xf32>
    %add3A_357 = arith.constant 1.000000e+00 : f32
    %add3A_358 = vector.broadcast %add3A_357 : f32 to vector<64x16x128xf32>
    %add3A_359 = arith.addf %sub3A_356, %add3A_358 : vector<64x16x128xf32>
    %max3A_360 = arith.constant 0.000000e+00 : f32
    %max3A_361 = vector.broadcast %max3A_360 : f32 to vector<64x16x128xf32>
    %max3A_362 = arith.maximumf %add3A_359, %max3A_361 : vector<64x16x128xf32>
    %mul3A_363 = arith.mulf %max3A_355, %max3A_362 : vector<64x16x128xf32>
    %broadcast_in_dim3A_364 = vector.shape_cast %mul3A_336 : vector<16x128xf32> to vector<1x16x128xf32>
    %add3A_365 = vector.broadcast %broadcast_in_dim3A_364 : vector<1x16x128xf32> to vector<64x16x128xf32>
    %add3A_366 = arith.addf %add3A_365, %broadcast_in_dim3A_79 : vector<64x16x128xf32>
    %sub3A_367 = arith.subf %add3A_366, %mul3A_363 : vector<64x16x128xf32>
    %div3A_368 = arith.divf %mul3A_363, %sub3A_367 : vector<64x16x128xf32>
    %reduce_max3A_369 = arith.constant dense<0xFF800000> : vector<16x128xf32>
    %reduce_max3A_370 = vector.multi_reduction <maximumf>, %div3A_368, %reduce_max3A_369 [0] : vector<64x16x128xf32> to vector<16x128xf32>
    %gt3A_371 = arith.constant 5.000000e-01 : f32
    %gt3A_372 = vector.broadcast %gt3A_371 : f32 to vector<16x128xf32>
    %gt3A_373 = arith.cmpf ogt, %reduce_max3A_370, %gt3A_372 : vector<16x128xf32>
    %lt3A_374 = arith.constant 5.000000e-01 : f32
    %lt3A_375 = vector.broadcast %lt3A_374 : f32 to vector<16x128xf32>
    %lt3A_376 = arith.cmpf olt, %reduce_max3A_370, %lt3A_375 : vector<16x128xf32>
    %ge3A_377 = arith.constant 1.000000e-01 : f32
    %ge3A_378 = vector.broadcast %ge3A_377 : f32 to vector<16x128xf32>
    %ge3A_379 = arith.cmpf oge, %reduce_max3A_370, %ge3A_378 : vector<16x128xf32>
    %and3A_380 = arith.andi %lt3A_376, %ge3A_379 : vector<16x128xi1>
    %get3A_381 = arith.constant 0 : index
    %get3A_382 = arith.constant 0 : index
    %get3A_383 = arith.constant 64 : index
    %get3A_384 = arith.constant 0 : index
    %get3A_385 = vector.load %arg1[%get3A_381, %get3A_382, %get3A_383, %get3A_384] : memref<1x4x160x128xf32, #tpu.memory_space<vmem>>, vector<1x1x16x128xf32>
    %get3A_386 = vector.shape_cast %get3A_385 : vector<1x1x16x128xf32> to vector<16x128xf32>
    %get3A_387 = arith.constant 0 : index
    %get3A_388 = arith.constant 1 : index
    %get3A_389 = arith.constant 64 : index
    %get3A_390 = arith.constant 0 : index
    %get3A_391 = vector.load %arg1[%get3A_387, %get3A_388, %get3A_389, %get3A_390] : memref<1x4x160x128xf32, #tpu.memory_space<vmem>>, vector<1x1x16x128xf32>
    %get3A_392 = vector.shape_cast %get3A_391 : vector<1x1x16x128xf32> to vector<16x128xf32>
    %get3A_393 = arith.constant 0 : index
    %get3A_394 = arith.constant 2 : index
    %get3A_395 = arith.constant 64 : index
    %get3A_396 = arith.constant 0 : index
    %get3A_397 = vector.load %arg1[%get3A_393, %get3A_394, %get3A_395, %get3A_396] : memref<1x4x160x128xf32, #tpu.memory_space<vmem>>, vector<1x1x16x128xf32>
    %get3A_398 = vector.shape_cast %get3A_397 : vector<1x1x16x128xf32> to vector<16x128xf32>
    %get3A_399 = arith.constant 0 : index
    %get3A_400 = arith.constant 3 : index
    %get3A_401 = arith.constant 64 : index
    %get3A_402 = arith.constant 0 : index
    %get3A_403 = vector.load %arg1[%get3A_399, %get3A_400, %get3A_401, %get3A_402] : memref<1x4x160x128xf32, #tpu.memory_space<vmem>>, vector<1x1x16x128xf32>
    %get3A_404 = vector.shape_cast %get3A_403 : vector<1x1x16x128xf32> to vector<16x128xf32>
    %sub3A_405 = arith.subf %get3A_398, %get3A_386 : vector<16x128xf32>
    %add3A_406 = arith.constant 1.000000e+00 : f32
    %add3A_407 = vector.broadcast %add3A_406 : f32 to vector<16x128xf32>
    %add3A_408 = arith.addf %sub3A_405, %add3A_407 : vector<16x128xf32>
    %sub3A_409 = arith.subf %get3A_404, %get3A_392 : vector<16x128xf32>
    %add3A_410 = arith.constant 1.000000e+00 : f32
    %add3A_411 = vector.broadcast %add3A_410 : f32 to vector<16x128xf32>
    %add3A_412 = arith.addf %sub3A_409, %add3A_411 : vector<16x128xf32>
    %mul3A_413 = arith.mulf %add3A_408, %add3A_412 : vector<16x128xf32>
    %broadcast_in_dim3A_414 = vector.shape_cast %get3A_386 : vector<16x128xf32> to vector<1x16x128xf32>
    %max3A_415 = vector.broadcast %broadcast_in_dim3A_414 : vector<1x16x128xf32> to vector<64x16x128xf32>
    %max3A_416 = arith.maximumf %max3A_415, %broadcast_in_dim3A_71 : vector<64x16x128xf32>
    %broadcast_in_dim3A_417 = vector.shape_cast %get3A_392 : vector<16x128xf32> to vector<1x16x128xf32>
    %max3A_418 = vector.broadcast %broadcast_in_dim3A_417 : vector<1x16x128xf32> to vector<64x16x128xf32>
    %max3A_419 = arith.maximumf %max3A_418, %broadcast_in_dim3A_73 : vector<64x16x128xf32>
    %broadcast_in_dim3A_420 = vector.shape_cast %get3A_398 : vector<16x128xf32> to vector<1x16x128xf32>
    %min3A_421 = vector.broadcast %broadcast_in_dim3A_420 : vector<1x16x128xf32> to vector<64x16x128xf32>
    %min3A_422 = arith.minimumf %min3A_421, %broadcast_in_dim3A_75 : vector<64x16x128xf32>
    %broadcast_in_dim3A_423 = vector.shape_cast %get3A_404 : vector<16x128xf32> to vector<1x16x128xf32>
    %min3A_424 = vector.broadcast %broadcast_in_dim3A_423 : vector<1x16x128xf32> to vector<64x16x128xf32>
    %min3A_425 = arith.minimumf %min3A_424, %broadcast_in_dim3A_77 : vector<64x16x128xf32>
    %sub3A_426 = arith.subf %min3A_422, %max3A_416 : vector<64x16x128xf32>
    %add3A_427 = arith.constant 1.000000e+00 : f32
    %add3A_428 = vector.broadcast %add3A_427 : f32 to vector<64x16x128xf32>
    %add3A_429 = arith.addf %sub3A_426, %add3A_428 : vector<64x16x128xf32>
    %max3A_430 = arith.constant 0.000000e+00 : f32
    %max3A_431 = vector.broadcast %max3A_430 : f32 to vector<64x16x128xf32>
    %max3A_432 = arith.maximumf %add3A_429, %max3A_431 : vector<64x16x128xf32>
    %sub3A_433 = arith.subf %min3A_425, %max3A_419 : vector<64x16x128xf32>
    %add3A_434 = arith.constant 1.000000e+00 : f32
    %add3A_435 = vector.broadcast %add3A_434 : f32 to vector<64x16x128xf32>
    %add3A_436 = arith.addf %sub3A_433, %add3A_435 : vector<64x16x128xf32>
    %max3A_437 = arith.constant 0.000000e+00 : f32
    %max3A_438 = vector.broadcast %max3A_437 : f32 to vector<64x16x128xf32>
    %max3A_439 = arith.maximumf %add3A_436, %max3A_438 : vector<64x16x128xf32>
    %mul3A_440 = arith.mulf %max3A_432, %max3A_439 : vector<64x16x128xf32>
    %broadcast_in_dim3A_441 = vector.shape_cast %mul3A_413 : vector<16x128xf32> to vector<1x16x128xf32>
    %add3A_442 = vector.broadcast %broadcast_in_dim3A_441 : vector<1x16x128xf32> to vector<64x16x128xf32>
    %add3A_443 = arith.addf %add3A_442, %broadcast_in_dim3A_79 : vector<64x16x128xf32>
    %sub3A_444 = arith.subf %add3A_443, %mul3A_440 : vector<64x16x128xf32>
    %div3A_445 = arith.divf %mul3A_440, %sub3A_444 : vector<64x16x128xf32>
    %reduce_max3A_446 = arith.constant dense<0xFF800000> : vector<16x128xf32>
    %reduce_max3A_447 = vector.multi_reduction <maximumf>, %div3A_445, %reduce_max3A_446 [0] : vector<64x16x128xf32> to vector<16x128xf32>
    %gt3A_448 = arith.constant 5.000000e-01 : f32
    %gt3A_449 = vector.broadcast %gt3A_448 : f32 to vector<16x128xf32>
    %gt3A_450 = arith.cmpf ogt, %reduce_max3A_447, %gt3A_449 : vector<16x128xf32>
    %lt3A_451 = arith.constant 5.000000e-01 : f32
    %lt3A_452 = vector.broadcast %lt3A_451 : f32 to vector<16x128xf32>
    %lt3A_453 = arith.cmpf olt, %reduce_max3A_447, %lt3A_452 : vector<16x128xf32>
    %ge3A_454 = arith.constant 1.000000e-01 : f32
    %ge3A_455 = vector.broadcast %ge3A_454 : f32 to vector<16x128xf32>
    %ge3A_456 = arith.cmpf oge, %reduce_max3A_447, %ge3A_455 : vector<16x128xf32>
    %and3A_457 = arith.andi %lt3A_453, %ge3A_456 : vector<16x128xi1>
    %get3A_458 = arith.constant 0 : index
    %get3A_459 = arith.constant 0 : index
    %get3A_460 = arith.constant 80 : index
    %get3A_461 = arith.constant 0 : index
    %get3A_462 = vector.load %arg1[%get3A_458, %get3A_459, %get3A_460, %get3A_461] : memref<1x4x160x128xf32, #tpu.memory_space<vmem>>, vector<1x1x16x128xf32>
    %get3A_463 = vector.shape_cast %get3A_462 : vector<1x1x16x128xf32> to vector<16x128xf32>
    %get3A_464 = arith.constant 0 : index
    %get3A_465 = arith.constant 1 : index
    %get3A_466 = arith.constant 80 : index
    %get3A_467 = arith.constant 0 : index
    %get3A_468 = vector.load %arg1[%get3A_464, %get3A_465, %get3A_466, %get3A_467] : memref<1x4x160x128xf32, #tpu.memory_space<vmem>>, vector<1x1x16x128xf32>
    %get3A_469 = vector.shape_cast %get3A_468 : vector<1x1x16x128xf32> to vector<16x128xf32>
    %get3A_470 = arith.constant 0 : index
    %get3A_471 = arith.constant 2 : index
    %get3A_472 = arith.constant 80 : index
    %get3A_473 = arith.constant 0 : index
    %get3A_474 = vector.load %arg1[%get3A_470, %get3A_471, %get3A_472, %get3A_473] : memref<1x4x160x128xf32, #tpu.memory_space<vmem>>, vector<1x1x16x128xf32>
    %get3A_475 = vector.shape_cast %get3A_474 : vector<1x1x16x128xf32> to vector<16x128xf32>
    %get3A_476 = arith.constant 0 : index
    %get3A_477 = arith.constant 3 : index
    %get3A_478 = arith.constant 80 : index
    %get3A_479 = arith.constant 0 : index
    %get3A_480 = vector.load %arg1[%get3A_476, %get3A_477, %get3A_478, %get3A_479] : memref<1x4x160x128xf32, #tpu.memory_space<vmem>>, vector<1x1x16x128xf32>
    %get3A_481 = vector.shape_cast %get3A_480 : vector<1x1x16x128xf32> to vector<16x128xf32>
    %sub3A_482 = arith.subf %get3A_475, %get3A_463 : vector<16x128xf32>
    %add3A_483 = arith.constant 1.000000e+00 : f32
    %add3A_484 = vector.broadcast %add3A_483 : f32 to vector<16x128xf32>
    %add3A_485 = arith.addf %sub3A_482, %add3A_484 : vector<16x128xf32>
    %sub3A_486 = arith.subf %get3A_481, %get3A_469 : vector<16x128xf32>
    %add3A_487 = arith.constant 1.000000e+00 : f32
    %add3A_488 = vector.broadcast %add3A_487 : f32 to vector<16x128xf32>
    %add3A_489 = arith.addf %sub3A_486, %add3A_488 : vector<16x128xf32>
    %mul3A_490 = arith.mulf %add3A_485, %add3A_489 : vector<16x128xf32>
    %broadcast_in_dim3A_491 = vector.shape_cast %get3A_463 : vector<16x128xf32> to vector<1x16x128xf32>
    %max3A_492 = vector.broadcast %broadcast_in_dim3A_491 : vector<1x16x128xf32> to vector<64x16x128xf32>
    %max3A_493 = arith.maximumf %max3A_492, %broadcast_in_dim3A_71 : vector<64x16x128xf32>
    %broadcast_in_dim3A_494 = vector.shape_cast %get3A_469 : vector<16x128xf32> to vector<1x16x128xf32>
    %max3A_495 = vector.broadcast %broadcast_in_dim3A_494 : vector<1x16x128xf32> to vector<64x16x128xf32>
    %max3A_496 = arith.maximumf %max3A_495, %broadcast_in_dim3A_73 : vector<64x16x128xf32>
    %broadcast_in_dim3A_497 = vector.shape_cast %get3A_475 : vector<16x128xf32> to vector<1x16x128xf32>
    %min3A_498 = vector.broadcast %broadcast_in_dim3A_497 : vector<1x16x128xf32> to vector<64x16x128xf32>
    %min3A_499 = arith.minimumf %min3A_498, %broadcast_in_dim3A_75 : vector<64x16x128xf32>
    %broadcast_in_dim3A_500 = vector.shape_cast %get3A_481 : vector<16x128xf32> to vector<1x16x128xf32>
    %min3A_501 = vector.broadcast %broadcast_in_dim3A_500 : vector<1x16x128xf32> to vector<64x16x128xf32>
    %min3A_502 = arith.minimumf %min3A_501, %broadcast_in_dim3A_77 : vector<64x16x128xf32>
    %sub3A_503 = arith.subf %min3A_499, %max3A_493 : vector<64x16x128xf32>
    %add3A_504 = arith.constant 1.000000e+00 : f32
    %add3A_505 = vector.broadcast %add3A_504 : f32 to vector<64x16x128xf32>
    %add3A_506 = arith.addf %sub3A_503, %add3A_505 : vector<64x16x128xf32>
    %max3A_507 = arith.constant 0.000000e+00 : f32
    %max3A_508 = vector.broadcast %max3A_507 : f32 to vector<64x16x128xf32>
    %max3A_509 = arith.maximumf %add3A_506, %max3A_508 : vector<64x16x128xf32>
    %sub3A_510 = arith.subf %min3A_502, %max3A_496 : vector<64x16x128xf32>
    %add3A_511 = arith.constant 1.000000e+00 : f32
    %add3A_512 = vector.broadcast %add3A_511 : f32 to vector<64x16x128xf32>
    %add3A_513 = arith.addf %sub3A_510, %add3A_512 : vector<64x16x128xf32>
    %max3A_514 = arith.constant 0.000000e+00 : f32
    %max3A_515 = vector.broadcast %max3A_514 : f32 to vector<64x16x128xf32>
    %max3A_516 = arith.maximumf %add3A_513, %max3A_515 : vector<64x16x128xf32>
    %mul3A_517 = arith.mulf %max3A_509, %max3A_516 : vector<64x16x128xf32>
    %broadcast_in_dim3A_518 = vector.shape_cast %mul3A_490 : vector<16x128xf32> to vector<1x16x128xf32>
    %add3A_519 = vector.broadcast %broadcast_in_dim3A_518 : vector<1x16x128xf32> to vector<64x16x128xf32>
    %add3A_520 = arith.addf %add3A_519, %broadcast_in_dim3A_79 : vector<64x16x128xf32>
    %sub3A_521 = arith.subf %add3A_520, %mul3A_517 : vector<64x16x128xf32>
    %div3A_522 = arith.divf %mul3A_517, %sub3A_521 : vector<64x16x128xf32>
    %reduce_max3A_523 = arith.constant dense<0xFF800000> : vector<16x128xf32>
    %reduce_max3A_524 = vector.multi_reduction <maximumf>, %div3A_522, %reduce_max3A_523 [0] : vector<64x16x128xf32> to vector<16x128xf32>
    %gt3A_525 = arith.constant 5.000000e-01 : f32
    %gt3A_526 = vector.broadcast %gt3A_525 : f32 to vector<16x128xf32>
    %gt3A_527 = arith.cmpf ogt, %reduce_max3A_524, %gt3A_526 : vector<16x128xf32>
    %lt3A_528 = arith.constant 5.000000e-01 : f32
    %lt3A_529 = vector.broadcast %lt3A_528 : f32 to vector<16x128xf32>
    %lt3A_530 = arith.cmpf olt, %reduce_max3A_524, %lt3A_529 : vector<16x128xf32>
    %ge3A_531 = arith.constant 1.000000e-01 : f32
    %ge3A_532 = vector.broadcast %ge3A_531 : f32 to vector<16x128xf32>
    %ge3A_533 = arith.cmpf oge, %reduce_max3A_524, %ge3A_532 : vector<16x128xf32>
    %and3A_534 = arith.andi %lt3A_530, %ge3A_533 : vector<16x128xi1>
    %get3A_535 = arith.constant 0 : index
    %get3A_536 = arith.constant 0 : index
    %get3A_537 = arith.constant 96 : index
    %get3A_538 = arith.constant 0 : index
    %get3A_539 = vector.load %arg1[%get3A_535, %get3A_536, %get3A_537, %get3A_538] : memref<1x4x160x128xf32, #tpu.memory_space<vmem>>, vector<1x1x16x128xf32>
    %get3A_540 = vector.shape_cast %get3A_539 : vector<1x1x16x128xf32> to vector<16x128xf32>
    %get3A_541 = arith.constant 0 : index
    %get3A_542 = arith.constant 1 : index
    %get3A_543 = arith.constant 96 : index
    %get3A_544 = arith.constant 0 : index
    %get3A_545 = vector.load %arg1[%get3A_541, %get3A_542, %get3A_543, %get3A_544] : memref<1x4x160x128xf32, #tpu.memory_space<vmem>>, vector<1x1x16x128xf32>
    %get3A_546 = vector.shape_cast %get3A_545 : vector<1x1x16x128xf32> to vector<16x128xf32>
    %get3A_547 = arith.constant 0 : index
    %get3A_548 = arith.constant 2 : index
    %get3A_549 = arith.constant 96 : index
    %get3A_550 = arith.constant 0 : index
    %get3A_551 = vector.load %arg1[%get3A_547, %get3A_548, %get3A_549, %get3A_550] : memref<1x4x160x128xf32, #tpu.memory_space<vmem>>, vector<1x1x16x128xf32>
    %get3A_552 = vector.shape_cast %get3A_551 : vector<1x1x16x128xf32> to vector<16x128xf32>
    %get3A_553 = arith.constant 0 : index
    %get3A_554 = arith.constant 3 : index
    %get3A_555 = arith.constant 96 : index
    %get3A_556 = arith.constant 0 : index
    %get3A_557 = vector.load %arg1[%get3A_553, %get3A_554, %get3A_555, %get3A_556] : memref<1x4x160x128xf32, #tpu.memory_space<vmem>>, vector<1x1x16x128xf32>
    %get3A_558 = vector.shape_cast %get3A_557 : vector<1x1x16x128xf32> to vector<16x128xf32>
    %sub3A_559 = arith.subf %get3A_552, %get3A_540 : vector<16x128xf32>
    %add3A_560 = arith.constant 1.000000e+00 : f32
    %add3A_561 = vector.broadcast %add3A_560 : f32 to vector<16x128xf32>
    %add3A_562 = arith.addf %sub3A_559, %add3A_561 : vector<16x128xf32>
    %sub3A_563 = arith.subf %get3A_558, %get3A_546 : vector<16x128xf32>
    %add3A_564 = arith.constant 1.000000e+00 : f32
    %add3A_565 = vector.broadcast %add3A_564 : f32 to vector<16x128xf32>
    %add3A_566 = arith.addf %sub3A_563, %add3A_565 : vector<16x128xf32>
    %mul3A_567 = arith.mulf %add3A_562, %add3A_566 : vector<16x128xf32>
    %broadcast_in_dim3A_568 = vector.shape_cast %get3A_540 : vector<16x128xf32> to vector<1x16x128xf32>
    %max3A_569 = vector.broadcast %broadcast_in_dim3A_568 : vector<1x16x128xf32> to vector<64x16x128xf32>
    %max3A_570 = arith.maximumf %max3A_569, %broadcast_in_dim3A_71 : vector<64x16x128xf32>
    %broadcast_in_dim3A_571 = vector.shape_cast %get3A_546 : vector<16x128xf32> to vector<1x16x128xf32>
    %max3A_572 = vector.broadcast %broadcast_in_dim3A_571 : vector<1x16x128xf32> to vector<64x16x128xf32>
    %max3A_573 = arith.maximumf %max3A_572, %broadcast_in_dim3A_73 : vector<64x16x128xf32>
    %broadcast_in_dim3A_574 = vector.shape_cast %get3A_552 : vector<16x128xf32> to vector<1x16x128xf32>
    %min3A_575 = vector.broadcast %broadcast_in_dim3A_574 : vector<1x16x128xf32> to vector<64x16x128xf32>
    %min3A_576 = arith.minimumf %min3A_575, %broadcast_in_dim3A_75 : vector<64x16x128xf32>
    %broadcast_in_dim3A_577 = vector.shape_cast %get3A_558 : vector<16x128xf32> to vector<1x16x128xf32>
    %min3A_578 = vector.broadcast %broadcast_in_dim3A_577 : vector<1x16x128xf32> to vector<64x16x128xf32>
    %min3A_579 = arith.minimumf %min3A_578, %broadcast_in_dim3A_77 : vector<64x16x128xf32>
    %sub3A_580 = arith.subf %min3A_576, %max3A_570 : vector<64x16x128xf32>
    %add3A_581 = arith.constant 1.000000e+00 : f32
    %add3A_582 = vector.broadcast %add3A_581 : f32 to vector<64x16x128xf32>
    %add3A_583 = arith.addf %sub3A_580, %add3A_582 : vector<64x16x128xf32>
    %max3A_584 = arith.constant 0.000000e+00 : f32
    %max3A_585 = vector.broadcast %max3A_584 : f32 to vector<64x16x128xf32>
    %max3A_586 = arith.maximumf %add3A_583, %max3A_585 : vector<64x16x128xf32>
    %sub3A_587 = arith.subf %min3A_579, %max3A_573 : vector<64x16x128xf32>
    %add3A_588 = arith.constant 1.000000e+00 : f32
    %add3A_589 = vector.broadcast %add3A_588 : f32 to vector<64x16x128xf32>
    %add3A_590 = arith.addf %sub3A_587, %add3A_589 : vector<64x16x128xf32>
    %max3A_591 = arith.constant 0.000000e+00 : f32
    %max3A_592 = vector.broadcast %max3A_591 : f32 to vector<64x16x128xf32>
    %max3A_593 = arith.maximumf %add3A_590, %max3A_592 : vector<64x16x128xf32>
    %mul3A_594 = arith.mulf %max3A_586, %max3A_593 : vector<64x16x128xf32>
    %broadcast_in_dim3A_595 = vector.shape_cast %mul3A_567 : vector<16x128xf32> to vector<1x16x128xf32>
    %add3A_596 = vector.broadcast %broadcast_in_dim3A_595 : vector<1x16x128xf32> to vector<64x16x128xf32>
    %add3A_597 = arith.addf %add3A_596, %broadcast_in_dim3A_79 : vector<64x16x128xf32>
    %sub3A_598 = arith.subf %add3A_597, %mul3A_594 : vector<64x16x128xf32>
    %div3A_599 = arith.divf %mul3A_594, %sub3A_598 : vector<64x16x128xf32>
    %reduce_max3A_600 = arith.constant dense<0xFF800000> : vector<16x128xf32>
    %reduce_max3A_601 = vector.multi_reduction <maximumf>, %div3A_599, %reduce_max3A_600 [0] : vector<64x16x128xf32> to vector<16x128xf32>
    %gt3A_602 = arith.constant 5.000000e-01 : f32
    %gt3A_603 = vector.broadcast %gt3A_602 : f32 to vector<16x128xf32>
    %gt3A_604 = arith.cmpf ogt, %reduce_max3A_601, %gt3A_603 : vector<16x128xf32>
    %lt3A_605 = arith.constant 5.000000e-01 : f32
    %lt3A_606 = vector.broadcast %lt3A_605 : f32 to vector<16x128xf32>
    %lt3A_607 = arith.cmpf olt, %reduce_max3A_601, %lt3A_606 : vector<16x128xf32>
    %ge3A_608 = arith.constant 1.000000e-01 : f32
    %ge3A_609 = vector.broadcast %ge3A_608 : f32 to vector<16x128xf32>
    %ge3A_610 = arith.cmpf oge, %reduce_max3A_601, %ge3A_609 : vector<16x128xf32>
    %and3A_611 = arith.andi %lt3A_607, %ge3A_610 : vector<16x128xi1>
    %get3A_612 = arith.constant 0 : index
    %get3A_613 = arith.constant 0 : index
    %get3A_614 = arith.constant 112 : index
    %get3A_615 = arith.constant 0 : index
    %get3A_616 = vector.load %arg1[%get3A_612, %get3A_613, %get3A_614, %get3A_615] : memref<1x4x160x128xf32, #tpu.memory_space<vmem>>, vector<1x1x16x128xf32>
    %get3A_617 = vector.shape_cast %get3A_616 : vector<1x1x16x128xf32> to vector<16x128xf32>
    %get3A_618 = arith.constant 0 : index
    %get3A_619 = arith.constant 1 : index
    %get3A_620 = arith.constant 112 : index
    %get3A_621 = arith.constant 0 : index
    %get3A_622 = vector.load %arg1[%get3A_618, %get3A_619, %get3A_620, %get3A_621] : memref<1x4x160x128xf32, #tpu.memory_space<vmem>>, vector<1x1x16x128xf32>
    %get3A_623 = vector.shape_cast %get3A_622 : vector<1x1x16x128xf32> to vector<16x128xf32>
    %get3A_624 = arith.constant 0 : index
    %get3A_625 = arith.constant 2 : index
    %get3A_626 = arith.constant 112 : index
    %get3A_627 = arith.constant 0 : index
    %get3A_628 = vector.load %arg1[%get3A_624, %get3A_625, %get3A_626, %get3A_627] : memref<1x4x160x128xf32, #tpu.memory_space<vmem>>, vector<1x1x16x128xf32>
    %get3A_629 = vector.shape_cast %get3A_628 : vector<1x1x16x128xf32> to vector<16x128xf32>
    %get3A_630 = arith.constant 0 : index
    %get3A_631 = arith.constant 3 : index
    %get3A_632 = arith.constant 112 : index
    %get3A_633 = arith.constant 0 : index
    %get3A_634 = vector.load %arg1[%get3A_630, %get3A_631, %get3A_632, %get3A_633] : memref<1x4x160x128xf32, #tpu.memory_space<vmem>>, vector<1x1x16x128xf32>
    %get3A_635 = vector.shape_cast %get3A_634 : vector<1x1x16x128xf32> to vector<16x128xf32>
    %sub3A_636 = arith.subf %get3A_629, %get3A_617 : vector<16x128xf32>
    %add3A_637 = arith.constant 1.000000e+00 : f32
    %add3A_638 = vector.broadcast %add3A_637 : f32 to vector<16x128xf32>
    %add3A_639 = arith.addf %sub3A_636, %add3A_638 : vector<16x128xf32>
    %sub3A_640 = arith.subf %get3A_635, %get3A_623 : vector<16x128xf32>
    %add3A_641 = arith.constant 1.000000e+00 : f32
    %add3A_642 = vector.broadcast %add3A_641 : f32 to vector<16x128xf32>
    %add3A_643 = arith.addf %sub3A_640, %add3A_642 : vector<16x128xf32>
    %mul3A_644 = arith.mulf %add3A_639, %add3A_643 : vector<16x128xf32>
    %broadcast_in_dim3A_645 = vector.shape_cast %get3A_617 : vector<16x128xf32> to vector<1x16x128xf32>
    %max3A_646 = vector.broadcast %broadcast_in_dim3A_645 : vector<1x16x128xf32> to vector<64x16x128xf32>
    %max3A_647 = arith.maximumf %max3A_646, %broadcast_in_dim3A_71 : vector<64x16x128xf32>
    %broadcast_in_dim3A_648 = vector.shape_cast %get3A_623 : vector<16x128xf32> to vector<1x16x128xf32>
    %max3A_649 = vector.broadcast %broadcast_in_dim3A_648 : vector<1x16x128xf32> to vector<64x16x128xf32>
    %max3A_650 = arith.maximumf %max3A_649, %broadcast_in_dim3A_73 : vector<64x16x128xf32>
    %broadcast_in_dim3A_651 = vector.shape_cast %get3A_629 : vector<16x128xf32> to vector<1x16x128xf32>
    %min3A_652 = vector.broadcast %broadcast_in_dim3A_651 : vector<1x16x128xf32> to vector<64x16x128xf32>
    %min3A_653 = arith.minimumf %min3A_652, %broadcast_in_dim3A_75 : vector<64x16x128xf32>
    %broadcast_in_dim3A_654 = vector.shape_cast %get3A_635 : vector<16x128xf32> to vector<1x16x128xf32>
    %min3A_655 = vector.broadcast %broadcast_in_dim3A_654 : vector<1x16x128xf32> to vector<64x16x128xf32>
    %min3A_656 = arith.minimumf %min3A_655, %broadcast_in_dim3A_77 : vector<64x16x128xf32>
    %sub3A_657 = arith.subf %min3A_653, %max3A_647 : vector<64x16x128xf32>
    %add3A_658 = arith.constant 1.000000e+00 : f32
    %add3A_659 = vector.broadcast %add3A_658 : f32 to vector<64x16x128xf32>
    %add3A_660 = arith.addf %sub3A_657, %add3A_659 : vector<64x16x128xf32>
    %max3A_661 = arith.constant 0.000000e+00 : f32
    %max3A_662 = vector.broadcast %max3A_661 : f32 to vector<64x16x128xf32>
    %max3A_663 = arith.maximumf %add3A_660, %max3A_662 : vector<64x16x128xf32>
    %sub3A_664 = arith.subf %min3A_656, %max3A_650 : vector<64x16x128xf32>
    %add3A_665 = arith.constant 1.000000e+00 : f32
    %add3A_666 = vector.broadcast %add3A_665 : f32 to vector<64x16x128xf32>
    %add3A_667 = arith.addf %sub3A_664, %add3A_666 : vector<64x16x128xf32>
    %max3A_668 = arith.constant 0.000000e+00 : f32
    %max3A_669 = vector.broadcast %max3A_668 : f32 to vector<64x16x128xf32>
    %max3A_670 = arith.maximumf %add3A_667, %max3A_669 : vector<64x16x128xf32>
    %mul3A_671 = arith.mulf %max3A_663, %max3A_670 : vector<64x16x128xf32>
    %broadcast_in_dim3A_672 = vector.shape_cast %mul3A_644 : vector<16x128xf32> to vector<1x16x128xf32>
    %add3A_673 = vector.broadcast %broadcast_in_dim3A_672 : vector<1x16x128xf32> to vector<64x16x128xf32>
    %add3A_674 = arith.addf %add3A_673, %broadcast_in_dim3A_79 : vector<64x16x128xf32>
    %sub3A_675 = arith.subf %add3A_674, %mul3A_671 : vector<64x16x128xf32>
    %div3A_676 = arith.divf %mul3A_671, %sub3A_675 : vector<64x16x128xf32>
    %reduce_max3A_677 = arith.constant dense<0xFF800000> : vector<16x128xf32>
    %reduce_max3A_678 = vector.multi_reduction <maximumf>, %div3A_676, %reduce_max3A_677 [0] : vector<64x16x128xf32> to vector<16x128xf32>
    %gt3A_679 = arith.constant 5.000000e-01 : f32
    %gt3A_680 = vector.broadcast %gt3A_679 : f32 to vector<16x128xf32>
    %gt3A_681 = arith.cmpf ogt, %reduce_max3A_678, %gt3A_680 : vector<16x128xf32>
    %lt3A_682 = arith.constant 5.000000e-01 : f32
    %lt3A_683 = vector.broadcast %lt3A_682 : f32 to vector<16x128xf32>
    %lt3A_684 = arith.cmpf olt, %reduce_max3A_678, %lt3A_683 : vector<16x128xf32>
    %ge3A_685 = arith.constant 1.000000e-01 : f32
    %ge3A_686 = vector.broadcast %ge3A_685 : f32 to vector<16x128xf32>
    %ge3A_687 = arith.cmpf oge, %reduce_max3A_678, %ge3A_686 : vector<16x128xf32>
    %and3A_688 = arith.andi %lt3A_684, %ge3A_687 : vector<16x128xi1>
    %get3A_689 = arith.constant 0 : index
    %get3A_690 = arith.constant 0 : index
    %get3A_691 = arith.constant 128 : index
    %get3A_692 = arith.constant 0 : index
    %get3A_693 = vector.load %arg1[%get3A_689, %get3A_690, %get3A_691, %get3A_692] : memref<1x4x160x128xf32, #tpu.memory_space<vmem>>, vector<1x1x16x128xf32>
    %get3A_694 = vector.shape_cast %get3A_693 : vector<1x1x16x128xf32> to vector<16x128xf32>
    %get3A_695 = arith.constant 0 : index
    %get3A_696 = arith.constant 1 : index
    %get3A_697 = arith.constant 128 : index
    %get3A_698 = arith.constant 0 : index
    %get3A_699 = vector.load %arg1[%get3A_695, %get3A_696, %get3A_697, %get3A_698] : memref<1x4x160x128xf32, #tpu.memory_space<vmem>>, vector<1x1x16x128xf32>
    %get3A_700 = vector.shape_cast %get3A_699 : vector<1x1x16x128xf32> to vector<16x128xf32>
    %get3A_701 = arith.constant 0 : index
    %get3A_702 = arith.constant 2 : index
    %get3A_703 = arith.constant 128 : index
    %get3A_704 = arith.constant 0 : index
    %get3A_705 = vector.load %arg1[%get3A_701, %get3A_702, %get3A_703, %get3A_704] : memref<1x4x160x128xf32, #tpu.memory_space<vmem>>, vector<1x1x16x128xf32>
    %get3A_706 = vector.shape_cast %get3A_705 : vector<1x1x16x128xf32> to vector<16x128xf32>
    %get3A_707 = arith.constant 0 : index
    %get3A_708 = arith.constant 3 : index
    %get3A_709 = arith.constant 128 : index
    %get3A_710 = arith.constant 0 : index
    %get3A_711 = vector.load %arg1[%get3A_707, %get3A_708, %get3A_709, %get3A_710] : memref<1x4x160x128xf32, #tpu.memory_space<vmem>>, vector<1x1x16x128xf32>
    %get3A_712 = vector.shape_cast %get3A_711 : vector<1x1x16x128xf32> to vector<16x128xf32>
    %sub3A_713 = arith.subf %get3A_706, %get3A_694 : vector<16x128xf32>
    %add3A_714 = arith.constant 1.000000e+00 : f32
    %add3A_715 = vector.broadcast %add3A_714 : f32 to vector<16x128xf32>
    %add3A_716 = arith.addf %sub3A_713, %add3A_715 : vector<16x128xf32>
    %sub3A_717 = arith.subf %get3A_712, %get3A_700 : vector<16x128xf32>
    %add3A_718 = arith.constant 1.000000e+00 : f32
    %add3A_719 = vector.broadcast %add3A_718 : f32 to vector<16x128xf32>
    %add3A_720 = arith.addf %sub3A_717, %add3A_719 : vector<16x128xf32>
    %mul3A_721 = arith.mulf %add3A_716, %add3A_720 : vector<16x128xf32>
    %broadcast_in_dim3A_722 = vector.shape_cast %get3A_694 : vector<16x128xf32> to vector<1x16x128xf32>
    %max3A_723 = vector.broadcast %broadcast_in_dim3A_722 : vector<1x16x128xf32> to vector<64x16x128xf32>
    %max3A_724 = arith.maximumf %max3A_723, %broadcast_in_dim3A_71 : vector<64x16x128xf32>
    %broadcast_in_dim3A_725 = vector.shape_cast %get3A_700 : vector<16x128xf32> to vector<1x16x128xf32>
    %max3A_726 = vector.broadcast %broadcast_in_dim3A_725 : vector<1x16x128xf32> to vector<64x16x128xf32>
    %max3A_727 = arith.maximumf %max3A_726, %broadcast_in_dim3A_73 : vector<64x16x128xf32>
    %broadcast_in_dim3A_728 = vector.shape_cast %get3A_706 : vector<16x128xf32> to vector<1x16x128xf32>
    %min3A_729 = vector.broadcast %broadcast_in_dim3A_728 : vector<1x16x128xf32> to vector<64x16x128xf32>
    %min3A_730 = arith.minimumf %min3A_729, %broadcast_in_dim3A_75 : vector<64x16x128xf32>
    %broadcast_in_dim3A_731 = vector.shape_cast %get3A_712 : vector<16x128xf32> to vector<1x16x128xf32>
    %min3A_732 = vector.broadcast %broadcast_in_dim3A_731 : vector<1x16x128xf32> to vector<64x16x128xf32>
    %min3A_733 = arith.minimumf %min3A_732, %broadcast_in_dim3A_77 : vector<64x16x128xf32>
    %sub3A_734 = arith.subf %min3A_730, %max3A_724 : vector<64x16x128xf32>
    %add3A_735 = arith.constant 1.000000e+00 : f32
    %add3A_736 = vector.broadcast %add3A_735 : f32 to vector<64x16x128xf32>
    %add3A_737 = arith.addf %sub3A_734, %add3A_736 : vector<64x16x128xf32>
    %max3A_738 = arith.constant 0.000000e+00 : f32
    %max3A_739 = vector.broadcast %max3A_738 : f32 to vector<64x16x128xf32>
    %max3A_740 = arith.maximumf %add3A_737, %max3A_739 : vector<64x16x128xf32>
    %sub3A_741 = arith.subf %min3A_733, %max3A_727 : vector<64x16x128xf32>
    %add3A_742 = arith.constant 1.000000e+00 : f32
    %add3A_743 = vector.broadcast %add3A_742 : f32 to vector<64x16x128xf32>
    %add3A_744 = arith.addf %sub3A_741, %add3A_743 : vector<64x16x128xf32>
    %max3A_745 = arith.constant 0.000000e+00 : f32
    %max3A_746 = vector.broadcast %max3A_745 : f32 to vector<64x16x128xf32>
    %max3A_747 = arith.maximumf %add3A_744, %max3A_746 : vector<64x16x128xf32>
    %mul3A_748 = arith.mulf %max3A_740, %max3A_747 : vector<64x16x128xf32>
    %broadcast_in_dim3A_749 = vector.shape_cast %mul3A_721 : vector<16x128xf32> to vector<1x16x128xf32>
    %add3A_750 = vector.broadcast %broadcast_in_dim3A_749 : vector<1x16x128xf32> to vector<64x16x128xf32>
    %add3A_751 = arith.addf %add3A_750, %broadcast_in_dim3A_79 : vector<64x16x128xf32>
    %sub3A_752 = arith.subf %add3A_751, %mul3A_748 : vector<64x16x128xf32>
    %div3A_753 = arith.divf %mul3A_748, %sub3A_752 : vector<64x16x128xf32>
    %reduce_max3A_754 = arith.constant dense<0xFF800000> : vector<16x128xf32>
    %reduce_max3A_755 = vector.multi_reduction <maximumf>, %div3A_753, %reduce_max3A_754 [0] : vector<64x16x128xf32> to vector<16x128xf32>
    %gt3A_756 = arith.constant 5.000000e-01 : f32
    %gt3A_757 = vector.broadcast %gt3A_756 : f32 to vector<16x128xf32>
    %gt3A_758 = arith.cmpf ogt, %reduce_max3A_755, %gt3A_757 : vector<16x128xf32>
    %lt3A_759 = arith.constant 5.000000e-01 : f32
    %lt3A_760 = vector.broadcast %lt3A_759 : f32 to vector<16x128xf32>
    %lt3A_761 = arith.cmpf olt, %reduce_max3A_755, %lt3A_760 : vector<16x128xf32>
    %ge3A_762 = arith.constant 1.000000e-01 : f32
    %ge3A_763 = vector.broadcast %ge3A_762 : f32 to vector<16x128xf32>
    %ge3A_764 = arith.cmpf oge, %reduce_max3A_755, %ge3A_763 : vector<16x128xf32>
    %and3A_765 = arith.andi %lt3A_761, %ge3A_764 : vector<16x128xi1>
    %get3A_766 = arith.constant 0 : index
    %get3A_767 = arith.constant 0 : index
    %get3A_768 = arith.constant 144 : index
    %get3A_769 = arith.constant 0 : index
    %get3A_770 = vector.load %arg1[%get3A_766, %get3A_767, %get3A_768, %get3A_769] : memref<1x4x160x128xf32, #tpu.memory_space<vmem>>, vector<1x1x16x128xf32>
    %get3A_771 = vector.shape_cast %get3A_770 : vector<1x1x16x128xf32> to vector<16x128xf32>
    %get3A_772 = arith.constant 0 : index
    %get3A_773 = arith.constant 1 : index
    %get3A_774 = arith.constant 144 : index
    %get3A_775 = arith.constant 0 : index
    %get3A_776 = vector.load %arg1[%get3A_772, %get3A_773, %get3A_774, %get3A_775] : memref<1x4x160x128xf32, #tpu.memory_space<vmem>>, vector<1x1x16x128xf32>
    %get3A_777 = vector.shape_cast %get3A_776 : vector<1x1x16x128xf32> to vector<16x128xf32>
    %get3A_778 = arith.constant 0 : index
    %get3A_779 = arith.constant 2 : index
    %get3A_780 = arith.constant 144 : index
    %get3A_781 = arith.constant 0 : index
    %get3A_782 = vector.load %arg1[%get3A_778, %get3A_779, %get3A_780, %get3A_781] : memref<1x4x160x128xf32, #tpu.memory_space<vmem>>, vector<1x1x16x128xf32>
    %get3A_783 = vector.shape_cast %get3A_782 : vector<1x1x16x128xf32> to vector<16x128xf32>
    %get3A_784 = arith.constant 0 : index
    %get3A_785 = arith.constant 3 : index
    %get3A_786 = arith.constant 144 : index
    %get3A_787 = arith.constant 0 : index
    %get3A_788 = vector.load %arg1[%get3A_784, %get3A_785, %get3A_786, %get3A_787] : memref<1x4x160x128xf32, #tpu.memory_space<vmem>>, vector<1x1x16x128xf32>
    %get3A_789 = vector.shape_cast %get3A_788 : vector<1x1x16x128xf32> to vector<16x128xf32>
    %sub3A_790 = arith.subf %get3A_783, %get3A_771 : vector<16x128xf32>
    %add3A_791 = arith.constant 1.000000e+00 : f32
    %add3A_792 = vector.broadcast %add3A_791 : f32 to vector<16x128xf32>
    %add3A_793 = arith.addf %sub3A_790, %add3A_792 : vector<16x128xf32>
    %sub3A_794 = arith.subf %get3A_789, %get3A_777 : vector<16x128xf32>
    %add3A_795 = arith.constant 1.000000e+00 : f32
    %add3A_796 = vector.broadcast %add3A_795 : f32 to vector<16x128xf32>
    %add3A_797 = arith.addf %sub3A_794, %add3A_796 : vector<16x128xf32>
    %mul3A_798 = arith.mulf %add3A_793, %add3A_797 : vector<16x128xf32>
    %broadcast_in_dim3A_799 = vector.shape_cast %get3A_771 : vector<16x128xf32> to vector<1x16x128xf32>
    %max3A_800 = vector.broadcast %broadcast_in_dim3A_799 : vector<1x16x128xf32> to vector<64x16x128xf32>
    %max3A_801 = arith.maximumf %max3A_800, %broadcast_in_dim3A_71 : vector<64x16x128xf32>
    %broadcast_in_dim3A_802 = vector.shape_cast %get3A_777 : vector<16x128xf32> to vector<1x16x128xf32>
    %max3A_803 = vector.broadcast %broadcast_in_dim3A_802 : vector<1x16x128xf32> to vector<64x16x128xf32>
    %max3A_804 = arith.maximumf %max3A_803, %broadcast_in_dim3A_73 : vector<64x16x128xf32>
    %broadcast_in_dim3A_805 = vector.shape_cast %get3A_783 : vector<16x128xf32> to vector<1x16x128xf32>
    %min3A_806 = vector.broadcast %broadcast_in_dim3A_805 : vector<1x16x128xf32> to vector<64x16x128xf32>
    %min3A_807 = arith.minimumf %min3A_806, %broadcast_in_dim3A_75 : vector<64x16x128xf32>
    %broadcast_in_dim3A_808 = vector.shape_cast %get3A_789 : vector<16x128xf32> to vector<1x16x128xf32>
    %min3A_809 = vector.broadcast %broadcast_in_dim3A_808 : vector<1x16x128xf32> to vector<64x16x128xf32>
    %min3A_810 = arith.minimumf %min3A_809, %broadcast_in_dim3A_77 : vector<64x16x128xf32>
    %sub3A_811 = arith.subf %min3A_807, %max3A_801 : vector<64x16x128xf32>
    %add3A_812 = arith.constant 1.000000e+00 : f32
    %add3A_813 = vector.broadcast %add3A_812 : f32 to vector<64x16x128xf32>
    %add3A_814 = arith.addf %sub3A_811, %add3A_813 : vector<64x16x128xf32>
    %max3A_815 = arith.constant 0.000000e+00 : f32
    %max3A_816 = vector.broadcast %max3A_815 : f32 to vector<64x16x128xf32>
    %max3A_817 = arith.maximumf %add3A_814, %max3A_816 : vector<64x16x128xf32>
    %sub3A_818 = arith.subf %min3A_810, %max3A_804 : vector<64x16x128xf32>
    %add3A_819 = arith.constant 1.000000e+00 : f32
    %add3A_820 = vector.broadcast %add3A_819 : f32 to vector<64x16x128xf32>
    %add3A_821 = arith.addf %sub3A_818, %add3A_820 : vector<64x16x128xf32>
    %max3A_822 = arith.constant 0.000000e+00 : f32
    %max3A_823 = vector.broadcast %max3A_822 : f32 to vector<64x16x128xf32>
    %max3A_824 = arith.maximumf %add3A_821, %max3A_823 : vector<64x16x128xf32>
    %mul3A_825 = arith.mulf %max3A_817, %max3A_824 : vector<64x16x128xf32>
    %broadcast_in_dim3A_826 = vector.shape_cast %mul3A_798 : vector<16x128xf32> to vector<1x16x128xf32>
    %add3A_827 = vector.broadcast %broadcast_in_dim3A_826 : vector<1x16x128xf32> to vector<64x16x128xf32>
    %add3A_828 = arith.addf %add3A_827, %broadcast_in_dim3A_79 : vector<64x16x128xf32>
    %sub3A_829 = arith.subf %add3A_828, %mul3A_825 : vector<64x16x128xf32>
    %div3A_830 = arith.divf %mul3A_825, %sub3A_829 : vector<64x16x128xf32>
    %reduce_max3A_831 = arith.constant dense<0xFF800000> : vector<16x128xf32>
    %reduce_max3A_832 = vector.multi_reduction <maximumf>, %div3A_830, %reduce_max3A_831 [0] : vector<64x16x128xf32> to vector<16x128xf32>
    %gt3A_833 = arith.constant 5.000000e-01 : f32
    %gt3A_834 = vector.broadcast %gt3A_833 : f32 to vector<16x128xf32>
    %gt3A_835 = arith.cmpf ogt, %reduce_max3A_832, %gt3A_834 : vector<16x128xf32>
    %lt3A_836 = arith.constant 5.000000e-01 : f32
    %lt3A_837 = vector.broadcast %lt3A_836 : f32 to vector<16x128xf32>
    %lt3A_838 = arith.cmpf olt, %reduce_max3A_832, %lt3A_837 : vector<16x128xf32>
    %ge3A_839 = arith.constant 1.000000e-01 : f32
    %ge3A_840 = vector.broadcast %ge3A_839 : f32 to vector<16x128xf32>
    %ge3A_841 = arith.cmpf oge, %reduce_max3A_832, %ge3A_840 : vector<16x128xf32>
    %and3A_842 = arith.andi %lt3A_838, %ge3A_841 : vector<16x128xi1>
    %concatenate3A = tpu.concatenate %gt3A_144, %gt3A_219, %gt3A_296, %gt3A_373, %gt3A_450, %gt3A_527, %gt3A_604, %gt3A_681, %gt3A_758, %gt3A_835 in 0 : vector<16x128xi1>, vector<16x128xi1>, vector<16x128xi1>, vector<16x128xi1>, vector<16x128xi1>, vector<16x128xi1>, vector<16x128xi1>, vector<16x128xi1>, vector<16x128xi1>, vector<16x128xi1> -> vector<160x128xi1>
    %and3A_843 = arith.andi %concatenate3A, %lt3A_29 : vector<160x128xi1>
    %concatenate3A_844 = tpu.concatenate %and3A, %and3A_226, %and3A_303, %and3A_380, %and3A_457, %and3A_534, %and3A_611, %and3A_688, %and3A_765, %and3A_842 in 0 : vector<16x128xi1>, vector<16x128xi1>, vector<16x128xi1>, vector<16x128xi1>, vector<16x128xi1>, vector<16x128xi1>, vector<16x128xi1>, vector<16x128xi1>, vector<16x128xi1>, vector<16x128xi1> -> vector<160x128xi1>
    %and3A_845 = arith.andi %concatenate3A_844, %lt3A_29 : vector<160x128xi1>
    %convert_element_type3A_846 = arith.extui %and3A_843 : vector<160x128xi1> to vector<160x128xi32>
    %convert_element_type3A_847 = arith.sitofp %convert_element_type3A_846 : vector<160x128xi32> to vector<160x128xf32>
    %convert_element_type3A_848 = arith.extui %and3A_845 : vector<160x128xi1> to vector<160x128xi32>
    %convert_element_type3A_849 = arith.sitofp %convert_element_type3A_848 : vector<160x128xi32> to vector<160x128xf32>
    %reduce_sum3A = vector.shape_cast %convert_element_type3A_847 : vector<160x128xf32> to vector<1x160x128xf32>
    %reduce_sum3A_850 = arith.constant dense<0.000000e+00> : vector<1xf32>
    %reduce_sum3A_851 = vector.multi_reduction <add>, %reduce_sum3A, %reduce_sum3A_850 [1, 2] : vector<1x160x128xf32> to vector<1xf32>
    %reduce_sum3A_852 = vector.shape_cast %reduce_sum3A_851 : vector<1xf32> to vector<1x1x1xf32>
    %reduce_sum3A_853 = vector.extract %reduce_sum3A_852[0, 0, 0] : f32 from vector<1x1x1xf32>
    %convert_element_type3A_854 = arith.fptosi %reduce_sum3A_853 : f32 to i32
    %reduce_sum3A_855 = vector.shape_cast %convert_element_type3A_849 : vector<160x128xf32> to vector<1x160x128xf32>
    %reduce_sum3A_856 = arith.constant dense<0.000000e+00> : vector<1xf32>
    %reduce_sum3A_857 = vector.multi_reduction <add>, %reduce_sum3A_855, %reduce_sum3A_856 [1, 2] : vector<1x160x128xf32> to vector<1xf32>
    %reduce_sum3A_858 = vector.shape_cast %reduce_sum3A_857 : vector<1xf32> to vector<1x1x1xf32>
    %reduce_sum3A_859 = vector.extract %reduce_sum3A_858[0, 0, 0] : f32 from vector<1x1x1xf32>
    %convert_element_type3A_860 = arith.fptosi %reduce_sum3A_859 : f32 to i32
    %gt3A_861 = arith.constant 0 : i32
    %gt3A_862 = arith.cmpi sgt, %convert_element_type3A_854, %gt3A_861 : i32
    %gt3A_863 = arith.constant 0 : i32
    %gt3A_864 = arith.cmpi sgt, %convert_element_type3A_860, %gt3A_863 : i32
    %and3A_865 = arith.andi %gt3A_862, %gt3A_864 : i1
    %gt3A_866 = arith.constant 0 : i32
    %gt3A_867 = arith.cmpi sgt, %convert_element_type3A_854, %gt3A_866 : i32
    %min3A_868 = arith.constant 32 : i32
    %min3A_869 = arith.minsi %convert_element_type3A_854, %min3A_868 : i32
    %min3A_870 = arith.constant 128 : i32
    %min3A_871 = arith.minsi %convert_element_type3A_854, %min3A_870 : i32
    %select_n3A = arith.select %and3A_865, %min3A_869, %min3A_871 : i32
    %min3A_872 = arith.constant 128 : i32
    %min3A_873 = arith.minsi %convert_element_type3A_860, %min3A_872 : i32
    %select_n3A_874 = arith.select %gt3A_867, %select_n3A, %min3A_873 : i32
    %sub3A_875 = arith.constant 128 : i32
    %sub3A_876 = arith.subi %sub3A_875, %select_n3A_874 : i32
    %min3A_877 = arith.minsi %convert_element_type3A_860, %sub3A_876 : i32
    %jit3A = arith.constant 0 : i32
    %select_n3A_878 = arith.select %and3A_865, %min3A_877, %jit3A : i32
    %gt3A_879 = arith.constant 0 : i32
    %gt3A_880 = arith.cmpi sgt, %convert_element_type3A_854, %gt3A_879 : i32
    %select_n3A_881 = arith.select %gt3A_880, %convert_element_type3A_854, %convert_element_type3A_860 : i32
    %sub3A_882 = arith.constant 1 : i32
    %sub3A_883 = arith.subi %select_n3A_881, %sub3A_882 : i32
    %max3A_884 = arith.constant 0 : i32
    %max3A_885 = arith.maxsi %sub3A_883, %max3A_884 : i32
    %sub3A_886 = arith.constant 1 : i32
    %sub3A_887 = arith.subi %convert_element_type3A_860, %sub3A_886 : i32
    %max3A_888 = arith.constant 0 : i32
    %max3A_889 = arith.maxsi %sub3A_887, %max3A_888 : i32
    %shift_right_logical3A = arith.constant 1 : i32
    %shift_right_logical3A_890 = arith.shrui %max3A_885, %shift_right_logical3A : i32
    %or3A = arith.ori %max3A_885, %shift_right_logical3A_890 : i32
    %shift_right_logical3A_891 = arith.constant 2 : i32
    %shift_right_logical3A_892 = arith.shrui %or3A, %shift_right_logical3A_891 : i32
    %or3A_893 = arith.ori %or3A, %shift_right_logical3A_892 : i32
    %shift_right_logical3A_894 = arith.constant 4 : i32
    %shift_right_logical3A_895 = arith.shrui %or3A_893, %shift_right_logical3A_894 : i32
    %or3A_896 = arith.ori %or3A_893, %shift_right_logical3A_895 : i32
    %shift_right_logical3A_897 = arith.constant 8 : i32
    %shift_right_logical3A_898 = arith.shrui %or3A_896, %shift_right_logical3A_897 : i32
    %or3A_899 = arith.ori %or3A_896, %shift_right_logical3A_898 : i32
    %shift_right_logical3A_900 = arith.constant 16 : i32
    %shift_right_logical3A_901 = arith.shrui %or3A_899, %shift_right_logical3A_900 : i32
    %or3A_902 = arith.ori %or3A_899, %shift_right_logical3A_901 : i32
    %shift_right_logical3A_903 = arith.constant 1 : i32
    %shift_right_logical3A_904 = arith.shrui %max3A_889, %shift_right_logical3A_903 : i32
    %or3A_905 = arith.ori %max3A_889, %shift_right_logical3A_904 : i32
    %shift_right_logical3A_906 = arith.constant 2 : i32
    %shift_right_logical3A_907 = arith.shrui %or3A_905, %shift_right_logical3A_906 : i32
    %or3A_908 = arith.ori %or3A_905, %shift_right_logical3A_907 : i32
    %shift_right_logical3A_909 = arith.constant 4 : i32
    %shift_right_logical3A_910 = arith.shrui %or3A_908, %shift_right_logical3A_909 : i32
    %or3A_911 = arith.ori %or3A_908, %shift_right_logical3A_910 : i32
    %shift_right_logical3A_912 = arith.constant 8 : i32
    %shift_right_logical3A_913 = arith.shrui %or3A_911, %shift_right_logical3A_912 : i32
    %or3A_914 = arith.ori %or3A_911, %shift_right_logical3A_913 : i32
    %shift_right_logical3A_915 = arith.constant 16 : i32
    %shift_right_logical3A_916 = arith.shrui %or3A_914, %shift_right_logical3A_915 : i32
    %or3A_917 = arith.ori %or3A_914, %shift_right_logical3A_916 : i32
    %get3A_918 = arith.constant 0 : index
    %get3A_919 = arith.constant 0 : index
    %get3A_920 = arith.constant 0 : index
    %get3A_921 = vector.load %arg4[%get3A_918, %get3A_919, %get3A_920] : memref<1x32x128xi32, #tpu.memory_space<vmem>>, vector<1x32x128xi32>
    %get3A_922 = vector.shape_cast %get3A_921 : vector<1x32x128xi32> to vector<32x128xi32>
    %and3A_923 = vector.broadcast %or3A_902 : i32 to vector<32x128xi32>
    %and3A_924 = arith.andi %get3A_922, %and3A_923 : vector<32x128xi32>
    %le3A_925 = vector.broadcast %max3A_885 : i32 to vector<32x128xi32>
    %le3A_926 = arith.cmpi sle, %and3A_924, %le3A_925 : vector<32x128xi32>
    %convert_element_type3A_927 = arith.extui %le3A_926 : vector<32x128xi1> to vector<32x128xi32>
    %convert_element_type3A_928 = arith.sitofp %convert_element_type3A_927 : vector<32x128xi32> to vector<32x128xf32>
    %dot_general3A = arith.constant dense<0.000000e+00> : vector<32x128xf32>
    %dot_general3A_929 = tpu.matmul %convert_element_type3A_928, %convert_element_type3A_1, %dot_general3A {dimension_numbers = #tpu.dot_dimension_numbers<[1], [0], [0], [1], [0, 0, 1, 1], [], []>, transpose_lhs_hint = false} : vector<32x128xf32>, vector<128x128xf32>, vector<32x128xf32> -> vector<32x128xf32>
    %slice3A = vector.extract_strided_slice %dot_general3A_929 {offsets = [0, 127], sizes = [32, 1], strides = [1, 1]} : vector<32x128xf32> to vector<32x1xf32>
    %dot_general3A_930 = arith.constant dense<0.000000e+00> : vector<32x1xf32>
    %dot_general3A_931 = tpu.matmul %convert_element_type3A_6, %slice3A, %dot_general3A_930 {dimension_numbers = #tpu.dot_dimension_numbers<[1], [0], [0], [1], [0, 0, 1, 1], [], []>, transpose_lhs_hint = false} : vector<32x32xf32>, vector<32x1xf32>, vector<32x1xf32> -> vector<32x1xf32>
    %slice3A_932 = vector.extract_strided_slice %dot_general3A_929 {offsets = [0, 127], sizes = [32, 1], strides = [1, 1]} : vector<32x128xf32> to vector<32x1xf32>
    %sub3A_933 = arith.subf %dot_general3A_931, %slice3A_932 : vector<32x1xf32>
    %lt3A_934 = vector.broadcast %dot_general3A_931 : vector<32x1xf32> to vector<32x128xf32>
    %lt3A_935 = vector.broadcast %convert_element_type3A_15 : vector<1x128xf32> to vector<32x128xf32>
    %lt3A_936 = arith.cmpf olt, %lt3A_934, %lt3A_935 : vector<32x128xf32>
    %convert_element_type3A_937 = arith.extui %lt3A_936 : vector<32x128xi1> to vector<32x128xi32>
    %convert_element_type3A_938 = arith.sitofp %convert_element_type3A_937 : vector<32x128xi32> to vector<32x128xf32>
    %reduce_sum3A_939 = arith.constant dense<0.000000e+00> : vector<128xf32>
    %reduce_sum3A_940 = vector.multi_reduction <add>, %convert_element_type3A_938, %reduce_sum3A_939 [0] : vector<32x128xf32> to vector<128xf32>
    %broadcast_in_dim3A_941 = vector.shape_cast %reduce_sum3A_940 : vector<128xf32> to vector<1x128xf32>
    %convert_element_type3A_942 = arith.fptosi %broadcast_in_dim3A_941 : vector<1x128xf32> to vector<1x128xi32>
    %min3A_943 = arith.constant 31 : i32
    %min3A_944 = vector.broadcast %min3A_943 : i32 to vector<1x128xi32>
    %min3A_945 = arith.minsi %convert_element_type3A_942, %min3A_944 : vector<1x128xi32>
    %iota3A_946 = tpu.iota {dimensions = array<i32: 0>} : vector<32x128xi32>
    %eq3A = vector.broadcast %min3A_945 : vector<1x128xi32> to vector<32x128xi32>
    %eq3A_947 = arith.cmpi eq, %iota3A_946, %eq3A : vector<32x128xi32>
    %convert_element_type3A_948 = arith.extui %eq3A_947 : vector<32x128xi1> to vector<32x128xi32>
    %convert_element_type3A_949 = arith.sitofp %convert_element_type3A_948 : vector<32x128xi32> to vector<32x128xf32>
    %dot_general3A_950 = arith.constant dense<0.000000e+00> : vector<128x128xf32>
    %dot_general3A_951 = tpu.matmul %dot_general3A_929, %convert_element_type3A_949, %dot_general3A_950 {dimension_numbers = #tpu.dot_dimension_numbers<[0], [0], [1], [1], [0, 1, 1, 1], [], []>, transpose_lhs_hint = false} : vector<32x128xf32>, vector<32x128xf32>, vector<128x128xf32> -> vector<128x128xf32>
    %dot_general3A_952 = arith.constant dense<0.000000e+00> : vector<1x128xf32>
    %dot_general3A_953 = tpu.matmul %sub3A_933, %convert_element_type3A_949, %dot_general3A_952 {dimension_numbers = #tpu.dot_dimension_numbers<[0], [0], [1], [1], [0, 1, 1, 1], [], []>, precision = #tpu.contract_precision<fp32>, transpose_lhs_hint = false} : vector<32x1xf32>, vector<32x128xf32>, vector<1x128xf32> -> vector<1x128xf32>
    %sub3A_954 = arith.subf %convert_element_type3A_15, %dot_general3A_953 : vector<1x128xf32>
    %lt3A_955 = vector.broadcast %sub3A_954 : vector<1x128xf32> to vector<128x128xf32>
    %lt3A_956 = arith.cmpf olt, %dot_general3A_951, %lt3A_955 : vector<128x128xf32>
    %convert_element_type3A_957 = arith.extui %lt3A_956 : vector<128x128xi1> to vector<128x128xi32>
    %convert_element_type3A_958 = arith.sitofp %convert_element_type3A_957 : vector<128x128xi32> to vector<128x128xf32>
    %reduce_sum3A_959 = arith.constant dense<0.000000e+00> : vector<128xf32>
    %reduce_sum3A_960 = vector.multi_reduction <add>, %convert_element_type3A_958, %reduce_sum3A_959 [0] : vector<128x128xf32> to vector<128xf32>
    %broadcast_in_dim3A_961 = vector.shape_cast %reduce_sum3A_960 : vector<128xf32> to vector<1x128xf32>
    %convert_element_type3A_962 = arith.sitofp %min3A_945 : vector<1x128xi32> to vector<1x128xf32>
    %mul3A_963 = arith.constant 1.280000e+02 : f32
    %mul3A_964 = vector.broadcast %mul3A_963 : f32 to vector<1x128xf32>
    %mul3A_965 = arith.mulf %convert_element_type3A_962, %mul3A_964 : vector<1x128xf32>
    %add3A_966 = arith.addf %mul3A_965, %broadcast_in_dim3A_961 : vector<1x128xf32>
    %convert_element_type3A_967 = arith.fptosi %add3A_966 : vector<1x128xf32> to vector<1x128xi32>
    %min3A_968 = arith.constant 4095 : i32
    %min3A_969 = vector.broadcast %min3A_968 : i32 to vector<1x128xi32>
    %min3A_970 = arith.minsi %convert_element_type3A_967, %min3A_969 : vector<1x128xi32>
    %convert_element_type3A_971 = arith.sitofp %and3A_924 : vector<32x128xi32> to vector<32x128xf32>
    %shift_right_logical3A_972 = arith.constant 7 : i32
    %shift_right_logical3A_973 = vector.broadcast %shift_right_logical3A_972 : i32 to vector<1x128xi32>
    %shift_right_logical3A_974 = arith.shrui %min3A_970, %shift_right_logical3A_973 : vector<1x128xi32>
    %and3A_975 = arith.constant 127 : i32
    %and3A_976 = vector.broadcast %and3A_975 : i32 to vector<1x128xi32>
    %and3A_977 = arith.andi %min3A_970, %and3A_976 : vector<1x128xi32>
    %iota3A_978 = tpu.iota {dimensions = array<i32: 0>} : vector<32x128xi32>
    %eq3A_979 = vector.broadcast %shift_right_logical3A_974 : vector<1x128xi32> to vector<32x128xi32>
    %eq3A_980 = arith.cmpi eq, %iota3A_978, %eq3A_979 : vector<32x128xi32>
    %convert_element_type3A_981 = arith.extui %eq3A_980 : vector<32x128xi1> to vector<32x128xi32>
    %convert_element_type3A_982 = arith.sitofp %convert_element_type3A_981 : vector<32x128xi32> to vector<32x128xf32>
    %dot_general3A_983 = arith.constant dense<0.000000e+00> : vector<128x128xf32>
    %dot_general3A_984 = tpu.matmul %convert_element_type3A_971, %convert_element_type3A_982, %dot_general3A_983 {dimension_numbers = #tpu.dot_dimension_numbers<[0], [0], [1], [1], [0, 1, 1, 1], [], []>, precision = #tpu.contract_precision<fp32>, transpose_lhs_hint = false} : vector<32x128xf32>, vector<32x128xf32>, vector<128x128xf32> -> vector<128x128xf32>
    %iota3A_985 = tpu.iota {dimensions = array<i32: 0>} : vector<128x128xi32>
    %eq3A_986 = vector.broadcast %and3A_977 : vector<1x128xi32> to vector<128x128xi32>
    %eq3A_987 = arith.cmpi eq, %iota3A_985, %eq3A_986 : vector<128x128xi32>
    %convert_element_type3A_988 = arith.extui %eq3A_987 : vector<128x128xi1> to vector<128x128xi32>
    %convert_element_type3A_989 = arith.sitofp %convert_element_type3A_988 : vector<128x128xi32> to vector<128x128xf32>
    %mul3A_990 = arith.mulf %dot_general3A_984, %convert_element_type3A_989 : vector<128x128xf32>
    %reduce_sum3A_991 = arith.constant dense<0.000000e+00> : vector<128xf32>
    %reduce_sum3A_992 = vector.multi_reduction <add>, %mul3A_990, %reduce_sum3A_991 [0] : vector<128x128xf32> to vector<128xf32>
    %broadcast_in_dim3A_993 = vector.shape_cast %reduce_sum3A_992 : vector<128xf32> to vector<1x128xf32>
    %convert_element_type3A_994 = arith.fptosi %broadcast_in_dim3A_993 : vector<1x128xf32> to vector<1x128xi32>
    %sub3A_995 = arith.constant 1 : i32
    %sub3A_996 = arith.subi %select_n3A_874, %sub3A_995 : i32
    %max3A_997 = arith.constant 0 : i32
    %max3A_998 = arith.maxsi %sub3A_996, %max3A_997 : i32
    %min3A_999 = arith.constant 127 : i32
    %min3A_1000 = arith.minsi %max3A_998, %min3A_999 : i32
    %convert_element_type3A_1001 = arith.sitofp %convert_element_type3A_967 : vector<1x128xi32> to vector<1x128xf32>
    %eq3A_1002 = vector.broadcast %min3A_1000 : i32 to vector<1x128xi32>
    %eq3A_1003 = arith.cmpi eq, %iota3A_16, %eq3A_1002 : vector<1x128xi32>
    %convert_element_type3A_1004 = arith.extui %eq3A_1003 : vector<1x128xi1> to vector<1x128xi32>
    %convert_element_type3A_1005 = arith.sitofp %convert_element_type3A_1004 : vector<1x128xi32> to vector<1x128xf32>
    %mul3A_1006 = arith.mulf %convert_element_type3A_1001, %convert_element_type3A_1005 : vector<1x128xf32>
    %reduce_sum3A_1007 = vector.shape_cast %mul3A_1006 : vector<1x128xf32> to vector<1x1x128xf32>
    %reduce_sum3A_1008 = arith.constant dense<0.000000e+00> : vector<1xf32>
    %reduce_sum3A_1009 = vector.multi_reduction <add>, %reduce_sum3A_1007, %reduce_sum3A_1008 [1, 2] : vector<1x1x128xf32> to vector<1xf32>
    %reduce_sum3A_1010 = vector.shape_cast %reduce_sum3A_1009 : vector<1xf32> to vector<1x1x1xf32>
    %reduce_sum3A_1011 = vector.extract %reduce_sum3A_1010[0, 0, 0] : f32 from vector<1x1x1xf32>
    %convert_element_type3A_1012 = arith.fptosi %reduce_sum3A_1011 : f32 to i32
    %eq3A_1013 = arith.constant 0 : i32
    %eq3A_1014 = arith.cmpi eq, %max3A_885, %eq3A_1013 : i32
    %eq3A_1015 = arith.constant 0 : i32
    %eq3A_1016 = arith.cmpi eq, %select_n3A_874, %eq3A_1015 : i32
    %or3A_1017 = arith.ori %eq3A_1014, %eq3A_1016 : i1
    %add3A_1018 = arith.constant 1 : i32
    %add3A_1019 = arith.addi %convert_element_type3A_1012, %add3A_1018 : i32
    %jit3A_1020 = arith.constant 0 : i32
    %select_n3A_1021 = arith.select %or3A_1017, %jit3A_1020, %add3A_1019 : i32
    %and3A_1022 = vector.broadcast %or3A_917 : i32 to vector<32x128xi32>
    %and3A_1023 = arith.andi %get3A_922, %and3A_1022 : vector<32x128xi32>
    %le3A_1024 = vector.broadcast %max3A_889 : i32 to vector<32x128xi32>
    %le3A_1025 = arith.cmpi sle, %and3A_1023, %le3A_1024 : vector<32x128xi32>
    %ge3A_1026 = vector.broadcast %select_n3A_1021 : i32 to vector<32x128xi32>
    %ge3A_1027 = arith.cmpi sge, %add3A_27, %ge3A_1026 : vector<32x128xi32>
    %and3A_1028 = arith.andi %le3A_1025, %ge3A_1027 : vector<32x128xi1>
    %convert_element_type3A_1029 = arith.extui %and3A_1028 : vector<32x128xi1> to vector<32x128xi32>
    %convert_element_type3A_1030 = arith.sitofp %convert_element_type3A_1029 : vector<32x128xi32> to vector<32x128xf32>
    %dot_general3A_1031 = arith.constant dense<0.000000e+00> : vector<32x128xf32>
    %dot_general3A_1032 = tpu.matmul %convert_element_type3A_1030, %convert_element_type3A_1, %dot_general3A_1031 {dimension_numbers = #tpu.dot_dimension_numbers<[1], [0], [0], [1], [0, 0, 1, 1], [], []>, transpose_lhs_hint = false} : vector<32x128xf32>, vector<128x128xf32>, vector<32x128xf32> -> vector<32x128xf32>
    %slice3A_1033 = vector.extract_strided_slice %dot_general3A_1032 {offsets = [0, 127], sizes = [32, 1], strides = [1, 1]} : vector<32x128xf32> to vector<32x1xf32>
    %dot_general3A_1034 = arith.constant dense<0.000000e+00> : vector<32x1xf32>
    %dot_general3A_1035 = tpu.matmul %convert_element_type3A_6, %slice3A_1033, %dot_general3A_1034 {dimension_numbers = #tpu.dot_dimension_numbers<[1], [0], [0], [1], [0, 0, 1, 1], [], []>, transpose_lhs_hint = false} : vector<32x32xf32>, vector<32x1xf32>, vector<32x1xf32> -> vector<32x1xf32>
    %slice3A_1036 = vector.extract_strided_slice %dot_general3A_1032 {offsets = [0, 127], sizes = [32, 1], strides = [1, 1]} : vector<32x128xf32> to vector<32x1xf32>
    %sub3A_1037 = arith.subf %dot_general3A_1035, %slice3A_1036 : vector<32x1xf32>
    %lt3A_1038 = vector.broadcast %dot_general3A_1035 : vector<32x1xf32> to vector<32x128xf32>
    %lt3A_1039 = vector.broadcast %convert_element_type3A_15 : vector<1x128xf32> to vector<32x128xf32>
    %lt3A_1040 = arith.cmpf olt, %lt3A_1038, %lt3A_1039 : vector<32x128xf32>
    %convert_element_type3A_1041 = arith.extui %lt3A_1040 : vector<32x128xi1> to vector<32x128xi32>
    %convert_element_type3A_1042 = arith.sitofp %convert_element_type3A_1041 : vector<32x128xi32> to vector<32x128xf32>
    %reduce_sum3A_1043 = arith.constant dense<0.000000e+00> : vector<128xf32>
    %reduce_sum3A_1044 = vector.multi_reduction <add>, %convert_element_type3A_1042, %reduce_sum3A_1043 [0] : vector<32x128xf32> to vector<128xf32>
    %broadcast_in_dim3A_1045 = vector.shape_cast %reduce_sum3A_1044 : vector<128xf32> to vector<1x128xf32>
    %convert_element_type3A_1046 = arith.fptosi %broadcast_in_dim3A_1045 : vector<1x128xf32> to vector<1x128xi32>
    %min3A_1047 = arith.constant 31 : i32
    %min3A_1048 = vector.broadcast %min3A_1047 : i32 to vector<1x128xi32>
    %min3A_1049 = arith.minsi %convert_element_type3A_1046, %min3A_1048 : vector<1x128xi32>
    %iota3A_1050 = tpu.iota {dimensions = array<i32: 0>} : vector<32x128xi32>
    %eq3A_1051 = vector.broadcast %min3A_1049 : vector<1x128xi32> to vector<32x128xi32>
    %eq3A_1052 = arith.cmpi eq, %iota3A_1050, %eq3A_1051 : vector<32x128xi32>
    %convert_element_type3A_1053 = arith.extui %eq3A_1052 : vector<32x128xi1> to vector<32x128xi32>
    %convert_element_type3A_1054 = arith.sitofp %convert_element_type3A_1053 : vector<32x128xi32> to vector<32x128xf32>
    %dot_general3A_1055 = arith.constant dense<0.000000e+00> : vector<128x128xf32>
    %dot_general3A_1056 = tpu.matmul %dot_general3A_1032, %convert_element_type3A_1054, %dot_general3A_1055 {dimension_numbers = #tpu.dot_dimension_numbers<[0], [0], [1], [1], [0, 1, 1, 1], [], []>, transpose_lhs_hint = false} : vector<32x128xf32>, vector<32x128xf32>, vector<128x128xf32> -> vector<128x128xf32>
    %dot_general3A_1057 = arith.constant dense<0.000000e+00> : vector<1x128xf32>
    %dot_general3A_1058 = tpu.matmul %sub3A_1037, %convert_element_type3A_1054, %dot_general3A_1057 {dimension_numbers = #tpu.dot_dimension_numbers<[0], [0], [1], [1], [0, 1, 1, 1], [], []>, precision = #tpu.contract_precision<fp32>, transpose_lhs_hint = false} : vector<32x1xf32>, vector<32x128xf32>, vector<1x128xf32> -> vector<1x128xf32>
    %sub3A_1059 = arith.subf %convert_element_type3A_15, %dot_general3A_1058 : vector<1x128xf32>
    %lt3A_1060 = vector.broadcast %sub3A_1059 : vector<1x128xf32> to vector<128x128xf32>
    %lt3A_1061 = arith.cmpf olt, %dot_general3A_1056, %lt3A_1060 : vector<128x128xf32>
    %convert_element_type3A_1062 = arith.extui %lt3A_1061 : vector<128x128xi1> to vector<128x128xi32>
    %convert_element_type3A_1063 = arith.sitofp %convert_element_type3A_1062 : vector<128x128xi32> to vector<128x128xf32>
    %reduce_sum3A_1064 = arith.constant dense<0.000000e+00> : vector<128xf32>
    %reduce_sum3A_1065 = vector.multi_reduction <add>, %convert_element_type3A_1063, %reduce_sum3A_1064 [0] : vector<128x128xf32> to vector<128xf32>
    %broadcast_in_dim3A_1066 = vector.shape_cast %reduce_sum3A_1065 : vector<128xf32> to vector<1x128xf32>
    %convert_element_type3A_1067 = arith.sitofp %min3A_1049 : vector<1x128xi32> to vector<1x128xf32>
    %mul3A_1068 = arith.constant 1.280000e+02 : f32
    %mul3A_1069 = vector.broadcast %mul3A_1068 : f32 to vector<1x128xf32>
    %mul3A_1070 = arith.mulf %convert_element_type3A_1067, %mul3A_1069 : vector<1x128xf32>
    %add3A_1071 = arith.addf %mul3A_1070, %broadcast_in_dim3A_1066 : vector<1x128xf32>
    %convert_element_type3A_1072 = arith.fptosi %add3A_1071 : vector<1x128xf32> to vector<1x128xi32>
    %min3A_1073 = arith.constant 4095 : i32
    %min3A_1074 = vector.broadcast %min3A_1073 : i32 to vector<1x128xi32>
    %min3A_1075 = arith.minsi %convert_element_type3A_1072, %min3A_1074 : vector<1x128xi32>
    %convert_element_type3A_1076 = arith.sitofp %and3A_1023 : vector<32x128xi32> to vector<32x128xf32>
    %shift_right_logical3A_1077 = arith.constant 7 : i32
    %shift_right_logical3A_1078 = vector.broadcast %shift_right_logical3A_1077 : i32 to vector<1x128xi32>
    %shift_right_logical3A_1079 = arith.shrui %min3A_1075, %shift_right_logical3A_1078 : vector<1x128xi32>
    %and3A_1080 = arith.constant 127 : i32
    %and3A_1081 = vector.broadcast %and3A_1080 : i32 to vector<1x128xi32>
    %and3A_1082 = arith.andi %min3A_1075, %and3A_1081 : vector<1x128xi32>
    %iota3A_1083 = tpu.iota {dimensions = array<i32: 0>} : vector<32x128xi32>
    %eq3A_1084 = vector.broadcast %shift_right_logical3A_1079 : vector<1x128xi32> to vector<32x128xi32>
    %eq3A_1085 = arith.cmpi eq, %iota3A_1083, %eq3A_1084 : vector<32x128xi32>
    %convert_element_type3A_1086 = arith.extui %eq3A_1085 : vector<32x128xi1> to vector<32x128xi32>
    %convert_element_type3A_1087 = arith.sitofp %convert_element_type3A_1086 : vector<32x128xi32> to vector<32x128xf32>
    %dot_general3A_1088 = arith.constant dense<0.000000e+00> : vector<128x128xf32>
    %dot_general3A_1089 = tpu.matmul %convert_element_type3A_1076, %convert_element_type3A_1087, %dot_general3A_1088 {dimension_numbers = #tpu.dot_dimension_numbers<[0], [0], [1], [1], [0, 1, 1, 1], [], []>, precision = #tpu.contract_precision<fp32>, transpose_lhs_hint = false} : vector<32x128xf32>, vector<32x128xf32>, vector<128x128xf32> -> vector<128x128xf32>
    %iota3A_1090 = tpu.iota {dimensions = array<i32: 0>} : vector<128x128xi32>
    %eq3A_1091 = vector.broadcast %and3A_1082 : vector<1x128xi32> to vector<128x128xi32>
    %eq3A_1092 = arith.cmpi eq, %iota3A_1090, %eq3A_1091 : vector<128x128xi32>
    %convert_element_type3A_1093 = arith.extui %eq3A_1092 : vector<128x128xi1> to vector<128x128xi32>
    %convert_element_type3A_1094 = arith.sitofp %convert_element_type3A_1093 : vector<128x128xi32> to vector<128x128xf32>
    %mul3A_1095 = arith.mulf %dot_general3A_1089, %convert_element_type3A_1094 : vector<128x128xf32>
    %reduce_sum3A_1096 = arith.constant dense<0.000000e+00> : vector<128xf32>
    %reduce_sum3A_1097 = vector.multi_reduction <add>, %mul3A_1095, %reduce_sum3A_1096 [0] : vector<128x128xf32> to vector<128xf32>
    %broadcast_in_dim3A_1098 = vector.shape_cast %reduce_sum3A_1097 : vector<128xf32> to vector<1x128xf32>
    %convert_element_type3A_1099 = arith.fptosi %broadcast_in_dim3A_1098 : vector<1x128xf32> to vector<1x128xi32>
    %gt3A_1100 = arith.constant 0 : i32
    %gt3A_1101 = arith.cmpi sgt, %convert_element_type3A_854, %gt3A_1100 : i32
    %select_n3A_1102 = arith.select %gt3A_1101, %convert_element_type3A_847, %convert_element_type3A_849 : vector<160x128xf32>
    %dot_general3A_1103 = arith.constant dense<0.000000e+00> : vector<160x128xf32>
    %dot_general3A_1104 = tpu.matmul %select_n3A_1102, %convert_element_type3A_1, %dot_general3A_1103 {dimension_numbers = #tpu.dot_dimension_numbers<[1], [0], [0], [1], [0, 0, 1, 1], [], []>, transpose_lhs_hint = false} : vector<160x128xf32>, vector<128x128xf32>, vector<160x128xf32> -> vector<160x128xf32>
    %slice3A_1105 = vector.extract_strided_slice %dot_general3A_1104 {offsets = [0, 127], sizes = [160, 1], strides = [1, 1]} : vector<160x128xf32> to vector<160x1xf32>
    %dot_general3A_1106 = arith.constant dense<0.000000e+00> : vector<160x1xf32>
    %dot_general3A_1107 = tpu.matmul %convert_element_type3A_11, %slice3A_1105, %dot_general3A_1106 {dimension_numbers = #tpu.dot_dimension_numbers<[1], [0], [0], [1], [0, 0, 1, 1], [], []>, transpose_lhs_hint = false} : vector<160x160xf32>, vector<160x1xf32>, vector<160x1xf32> -> vector<160x1xf32>
    %dot_general3A_1108 = arith.constant dense<0.000000e+00> : vector<160x128xf32>
    %dot_general3A_1109 = tpu.matmul %convert_element_type3A_849, %convert_element_type3A_1, %dot_general3A_1108 {dimension_numbers = #tpu.dot_dimension_numbers<[1], [0], [0], [1], [0, 0, 1, 1], [], []>, transpose_lhs_hint = false} : vector<160x128xf32>, vector<128x128xf32>, vector<160x128xf32> -> vector<160x128xf32>
    %slice3A_1110 = vector.extract_strided_slice %dot_general3A_1109 {offsets = [0, 127], sizes = [160, 1], strides = [1, 1]} : vector<160x128xf32> to vector<160x1xf32>
    %dot_general3A_1111 = arith.constant dense<0.000000e+00> : vector<160x1xf32>
    %dot_general3A_1112 = tpu.matmul %convert_element_type3A_11, %slice3A_1110, %dot_general3A_1111 {dimension_numbers = #tpu.dot_dimension_numbers<[1], [0], [0], [1], [0, 0, 1, 1], [], []>, transpose_lhs_hint = false} : vector<160x160xf32>, vector<160x1xf32>, vector<160x1xf32> -> vector<160x1xf32>
    %add3A_1113 = arith.constant 1 : i32
    %add3A_1114 = vector.broadcast %add3A_1113 : i32 to vector<1x128xi32>
    %add3A_1115 = arith.addi %convert_element_type3A_994, %add3A_1114 : vector<1x128xi32>
    %convert_element_type3A_1116 = arith.sitofp %add3A_1115 : vector<1x128xi32> to vector<1x128xf32>
    %slice3A_1117 = vector.extract_strided_slice %dot_general3A_1104 {offsets = [0, 127], sizes = [160, 1], strides = [1, 1]} : vector<160x128xf32> to vector<160x1xf32>
    %sub3A_1118 = arith.subf %dot_general3A_1107, %slice3A_1117 : vector<160x1xf32>
    %lt3A_1119 = vector.broadcast %dot_general3A_1107 : vector<160x1xf32> to vector<160x128xf32>
    %lt3A_1120 = vector.broadcast %convert_element_type3A_1116 : vector<1x128xf32> to vector<160x128xf32>
    %lt3A_1121 = arith.cmpf olt, %lt3A_1119, %lt3A_1120 : vector<160x128xf32>
    %convert_element_type3A_1122 = arith.extui %lt3A_1121 : vector<160x128xi1> to vector<160x128xi32>
    %convert_element_type3A_1123 = arith.sitofp %convert_element_type3A_1122 : vector<160x128xi32> to vector<160x128xf32>
    %reduce_sum3A_1124 = arith.constant dense<0.000000e+00> : vector<128xf32>
    %reduce_sum3A_1125 = vector.multi_reduction <add>, %convert_element_type3A_1123, %reduce_sum3A_1124 [0] : vector<160x128xf32> to vector<128xf32>
    %broadcast_in_dim3A_1126 = vector.shape_cast %reduce_sum3A_1125 : vector<128xf32> to vector<1x128xf32>
    %convert_element_type3A_1127 = arith.fptosi %broadcast_in_dim3A_1126 : vector<1x128xf32> to vector<1x128xi32>
    %min3A_1128 = arith.constant 159 : i32
    %min3A_1129 = vector.broadcast %min3A_1128 : i32 to vector<1x128xi32>
    %min3A_1130 = arith.minsi %convert_element_type3A_1127, %min3A_1129 : vector<1x128xi32>
    %iota3A_1131 = tpu.iota {dimensions = array<i32: 0>} : vector<160x128xi32>
    %eq3A_1132 = vector.broadcast %min3A_1130 : vector<1x128xi32> to vector<160x128xi32>
    %eq3A_1133 = arith.cmpi eq, %iota3A_1131, %eq3A_1132 : vector<160x128xi32>
    %convert_element_type3A_1134 = arith.extui %eq3A_1133 : vector<160x128xi1> to vector<160x128xi32>
    %convert_element_type3A_1135 = arith.sitofp %convert_element_type3A_1134 : vector<160x128xi32> to vector<160x128xf32>
    %dot_general3A_1136 = arith.constant dense<0.000000e+00> : vector<128x128xf32>
    %dot_general3A_1137 = tpu.matmul %dot_general3A_1104, %convert_element_type3A_1135, %dot_general3A_1136 {dimension_numbers = #tpu.dot_dimension_numbers<[0], [0], [1], [1], [0, 1, 1, 1], [], []>, transpose_lhs_hint = false} : vector<160x128xf32>, vector<160x128xf32>, vector<128x128xf32> -> vector<128x128xf32>
    %dot_general3A_1138 = arith.constant dense<0.000000e+00> : vector<1x128xf32>
    %dot_general3A_1139 = tpu.matmul %sub3A_1118, %convert_element_type3A_1135, %dot_general3A_1138 {dimension_numbers = #tpu.dot_dimension_numbers<[0], [0], [1], [1], [0, 1, 1, 1], [], []>, precision = #tpu.contract_precision<fp32>, transpose_lhs_hint = false} : vector<160x1xf32>, vector<160x128xf32>, vector<1x128xf32> -> vector<1x128xf32>
    %sub3A_1140 = arith.subf %convert_element_type3A_1116, %dot_general3A_1139 : vector<1x128xf32>
    %lt3A_1141 = vector.broadcast %sub3A_1140 : vector<1x128xf32> to vector<128x128xf32>
    %lt3A_1142 = arith.cmpf olt, %dot_general3A_1137, %lt3A_1141 : vector<128x128xf32>
    %convert_element_type3A_1143 = arith.extui %lt3A_1142 : vector<128x128xi1> to vector<128x128xi32>
    %convert_element_type3A_1144 = arith.sitofp %convert_element_type3A_1143 : vector<128x128xi32> to vector<128x128xf32>
    %reduce_sum3A_1145 = arith.constant dense<0.000000e+00> : vector<128xf32>
    %reduce_sum3A_1146 = vector.multi_reduction <add>, %convert_element_type3A_1144, %reduce_sum3A_1145 [0] : vector<128x128xf32> to vector<128xf32>
    %broadcast_in_dim3A_1147 = vector.shape_cast %reduce_sum3A_1146 : vector<128xf32> to vector<1x128xf32>
    %convert_element_type3A_1148 = arith.sitofp %min3A_1130 : vector<1x128xi32> to vector<1x128xf32>
    %mul3A_1149 = arith.constant 1.280000e+02 : f32
    %mul3A_1150 = vector.broadcast %mul3A_1149 : f32 to vector<1x128xf32>
    %mul3A_1151 = arith.mulf %convert_element_type3A_1148, %mul3A_1150 : vector<1x128xf32>
    %add3A_1152 = arith.addf %mul3A_1151, %broadcast_in_dim3A_1147 : vector<1x128xf32>
    %convert_element_type3A_1153 = arith.fptosi %add3A_1152 : vector<1x128xf32> to vector<1x128xi32>
    %add3A_1154 = arith.constant 1 : i32
    %add3A_1155 = vector.broadcast %add3A_1154 : i32 to vector<1x128xi32>
    %add3A_1156 = arith.addi %convert_element_type3A_1099, %add3A_1155 : vector<1x128xi32>
    %convert_element_type3A_1157 = arith.sitofp %add3A_1156 : vector<1x128xi32> to vector<1x128xf32>
    %slice3A_1158 = vector.extract_strided_slice %dot_general3A_1109 {offsets = [0, 127], sizes = [160, 1], strides = [1, 1]} : vector<160x128xf32> to vector<160x1xf32>
    %sub3A_1159 = arith.subf %dot_general3A_1112, %slice3A_1158 : vector<160x1xf32>
    %lt3A_1160 = vector.broadcast %dot_general3A_1112 : vector<160x1xf32> to vector<160x128xf32>
    %lt3A_1161 = vector.broadcast %convert_element_type3A_1157 : vector<1x128xf32> to vector<160x128xf32>
    %lt3A_1162 = arith.cmpf olt, %lt3A_1160, %lt3A_1161 : vector<160x128xf32>
    %convert_element_type3A_1163 = arith.extui %lt3A_1162 : vector<160x128xi1> to vector<160x128xi32>
    %convert_element_type3A_1164 = arith.sitofp %convert_element_type3A_1163 : vector<160x128xi32> to vector<160x128xf32>
    %reduce_sum3A_1165 = arith.constant dense<0.000000e+00> : vector<128xf32>
    %reduce_sum3A_1166 = vector.multi_reduction <add>, %convert_element_type3A_1164, %reduce_sum3A_1165 [0] : vector<160x128xf32> to vector<128xf32>
    %broadcast_in_dim3A_1167 = vector.shape_cast %reduce_sum3A_1166 : vector<128xf32> to vector<1x128xf32>
    %convert_element_type3A_1168 = arith.fptosi %broadcast_in_dim3A_1167 : vector<1x128xf32> to vector<1x128xi32>
    %min3A_1169 = arith.constant 159 : i32
    %min3A_1170 = vector.broadcast %min3A_1169 : i32 to vector<1x128xi32>
    %min3A_1171 = arith.minsi %convert_element_type3A_1168, %min3A_1170 : vector<1x128xi32>
    %iota3A_1172 = tpu.iota {dimensions = array<i32: 0>} : vector<160x128xi32>
    %eq3A_1173 = vector.broadcast %min3A_1171 : vector<1x128xi32> to vector<160x128xi32>
    %eq3A_1174 = arith.cmpi eq, %iota3A_1172, %eq3A_1173 : vector<160x128xi32>
    %convert_element_type3A_1175 = arith.extui %eq3A_1174 : vector<160x128xi1> to vector<160x128xi32>
    %convert_element_type3A_1176 = arith.sitofp %convert_element_type3A_1175 : vector<160x128xi32> to vector<160x128xf32>
    %dot_general3A_1177 = arith.constant dense<0.000000e+00> : vector<128x128xf32>
    %dot_general3A_1178 = tpu.matmul %dot_general3A_1109, %convert_element_type3A_1176, %dot_general3A_1177 {dimension_numbers = #tpu.dot_dimension_numbers<[0], [0], [1], [1], [0, 1, 1, 1], [], []>, transpose_lhs_hint = false} : vector<160x128xf32>, vector<160x128xf32>, vector<128x128xf32> -> vector<128x128xf32>
    %dot_general3A_1179 = arith.constant dense<0.000000e+00> : vector<1x128xf32>
    %dot_general3A_1180 = tpu.matmul %sub3A_1159, %convert_element_type3A_1176, %dot_general3A_1179 {dimension_numbers = #tpu.dot_dimension_numbers<[0], [0], [1], [1], [0, 1, 1, 1], [], []>, precision = #tpu.contract_precision<fp32>, transpose_lhs_hint = false} : vector<160x1xf32>, vector<160x128xf32>, vector<1x128xf32> -> vector<1x128xf32>
    %sub3A_1181 = arith.subf %convert_element_type3A_1157, %dot_general3A_1180 : vector<1x128xf32>
    %lt3A_1182 = vector.broadcast %sub3A_1181 : vector<1x128xf32> to vector<128x128xf32>
    %lt3A_1183 = arith.cmpf olt, %dot_general3A_1178, %lt3A_1182 : vector<128x128xf32>
    %convert_element_type3A_1184 = arith.extui %lt3A_1183 : vector<128x128xi1> to vector<128x128xi32>
    %convert_element_type3A_1185 = arith.sitofp %convert_element_type3A_1184 : vector<128x128xi32> to vector<128x128xf32>
    %reduce_sum3A_1186 = arith.constant dense<0.000000e+00> : vector<128xf32>
    %reduce_sum3A_1187 = vector.multi_reduction <add>, %convert_element_type3A_1185, %reduce_sum3A_1186 [0] : vector<128x128xf32> to vector<128xf32>
    %broadcast_in_dim3A_1188 = vector.shape_cast %reduce_sum3A_1187 : vector<128xf32> to vector<1x128xf32>
    %convert_element_type3A_1189 = arith.sitofp %min3A_1171 : vector<1x128xi32> to vector<1x128xf32>
    %mul3A_1190 = arith.constant 1.280000e+02 : f32
    %mul3A_1191 = vector.broadcast %mul3A_1190 : f32 to vector<1x128xf32>
    %mul3A_1192 = arith.mulf %convert_element_type3A_1189, %mul3A_1191 : vector<1x128xf32>
    %add3A_1193 = arith.addf %mul3A_1192, %broadcast_in_dim3A_1188 : vector<1x128xf32>
    %convert_element_type3A_1194 = arith.fptosi %add3A_1193 : vector<1x128xf32> to vector<1x128xi32>
    %add3A_1195 = arith.addi %select_n3A_874, %select_n3A_878 : i32
    %max3A_1196 = arith.constant 1 : i32
    %max3A_1197 = arith.maxsi %add3A_1195, %max3A_1196 : i32
    %convert_element_type3A_1198 = arith.sitofp %iota3A_16 : vector<1x128xi32> to vector<1x128xf32>
    %convert_element_type3A_1199 = arith.sitofp %max3A_1197 : i32 to f32
    %div3A_1200 = vector.broadcast %convert_element_type3A_1199 : f32 to vector<1x128xf32>
    %div3A_1201 = arith.divf %convert_element_type3A_1198, %div3A_1200 : vector<1x128xf32>
    %floor3A = math.floor %div3A_1201 : vector<1x128xf32>
    %convert_element_type3A_1202 = arith.fptosi %floor3A : vector<1x128xf32> to vector<1x128xi32>
    %mul3A_1203 = vector.broadcast %max3A_1197 : i32 to vector<1x128xi32>
    %mul3A_1204 = arith.muli %convert_element_type3A_1202, %mul3A_1203 : vector<1x128xi32>
    %sub3A_1205 = arith.subi %iota3A_16, %mul3A_1204 : vector<1x128xi32>
    %lt3A_1206 = arith.constant 0 : i32
    %lt3A_1207 = vector.broadcast %lt3A_1206 : i32 to vector<1x128xi32>
    %lt3A_1208 = arith.cmpi slt, %sub3A_1205, %lt3A_1207 : vector<1x128xi32>
    %jit3A_1209 = arith.constant 0 : i32
    %broadcast_in_dim3A_1210 = vector.broadcast %max3A_1197 : i32 to vector<1x128xi32>
    %broadcast_in_dim3A_1211 = vector.broadcast %jit3A_1209 : i32 to vector<1x128xi32>
    %select_n3A_1212 = arith.select %lt3A_1208, %broadcast_in_dim3A_1210, %broadcast_in_dim3A_1211 : vector<1x128xi1>, vector<1x128xi32>
    %add3A_1213 = arith.addi %sub3A_1205, %select_n3A_1212 : vector<1x128xi32>
    %ge3A_1214 = vector.broadcast %max3A_1197 : i32 to vector<1x128xi32>
    %ge3A_1215 = arith.cmpi sge, %add3A_1213, %ge3A_1214 : vector<1x128xi32>
    %jit3A_1216 = arith.constant 0 : i32
    %broadcast_in_dim3A_1217 = vector.broadcast %max3A_1197 : i32 to vector<1x128xi32>
    %broadcast_in_dim3A_1218 = vector.broadcast %jit3A_1216 : i32 to vector<1x128xi32>
    %select_n3A_1219 = arith.select %ge3A_1215, %broadcast_in_dim3A_1217, %broadcast_in_dim3A_1218 : vector<1x128xi1>, vector<1x128xi32>
    %sub3A_1220 = arith.subi %add3A_1213, %select_n3A_1219 : vector<1x128xi32>
    %iota3A_1221 = tpu.iota {dimensions = array<i32: 0>} : vector<128x128xi32>
    %eq3A_1222 = vector.broadcast %sub3A_1220 : vector<1x128xi32> to vector<128x128xi32>
    %eq3A_1223 = arith.cmpi eq, %iota3A_1221, %eq3A_1222 : vector<128x128xi32>
    %convert_element_type3A_1224 = arith.extui %eq3A_1223 : vector<128x128xi1> to vector<128x128xi32>
    %convert_element_type3A_1225 = arith.sitofp %convert_element_type3A_1224 : vector<128x128xi32> to vector<128x128xf32>
    %convert_element_type3A_1226 = arith.sitofp %convert_element_type3A_1153 : vector<1x128xi32> to vector<1x128xf32>
    %dot_general3A_1227 = arith.constant dense<0.000000e+00> : vector<1x128xf32>
    %dot_general3A_1228 = tpu.matmul %convert_element_type3A_1226, %convert_element_type3A_1225, %dot_general3A_1227 {dimension_numbers = #tpu.dot_dimension_numbers<[1], [0], [0], [1], [0, 0, 1, 1], [], []>, precision = #tpu.contract_precision<fp32>, transpose_lhs_hint = false} : vector<1x128xf32>, vector<128x128xf32>, vector<1x128xf32> -> vector<1x128xf32>
    %sub3A_1229 = vector.broadcast %select_n3A_874 : i32 to vector<1x128xi32>
    %sub3A_1230 = arith.subi %sub3A_1220, %sub3A_1229 : vector<1x128xi32>
    %max3A_1231 = arith.constant 0 : i32
    %max3A_1232 = vector.broadcast %max3A_1231 : i32 to vector<1x128xi32>
    %max3A_1233 = arith.maxsi %sub3A_1230, %max3A_1232 : vector<1x128xi32>
    %iota3A_1234 = tpu.iota {dimensions = array<i32: 0>} : vector<128x128xi32>
    %eq3A_1235 = vector.broadcast %max3A_1233 : vector<1x128xi32> to vector<128x128xi32>
    %eq3A_1236 = arith.cmpi eq, %iota3A_1234, %eq3A_1235 : vector<128x128xi32>
    %convert_element_type3A_1237 = arith.extui %eq3A_1236 : vector<128x128xi1> to vector<128x128xi32>
    %convert_element_type3A_1238 = arith.sitofp %convert_element_type3A_1237 : vector<128x128xi32> to vector<128x128xf32>
    %convert_element_type3A_1239 = arith.sitofp %convert_element_type3A_1194 : vector<1x128xi32> to vector<1x128xf32>
    %dot_general3A_1240 = arith.constant dense<0.000000e+00> : vector<1x128xf32>
    %dot_general3A_1241 = tpu.matmul %convert_element_type3A_1239, %convert_element_type3A_1238, %dot_general3A_1240 {dimension_numbers = #tpu.dot_dimension_numbers<[1], [0], [0], [1], [0, 0, 1, 1], [], []>, precision = #tpu.contract_precision<fp32>, transpose_lhs_hint = false} : vector<1x128xf32>, vector<128x128xf32>, vector<1x128xf32> -> vector<1x128xf32>
    %lt3A_1242 = vector.broadcast %select_n3A_874 : i32 to vector<1x128xi32>
    %lt3A_1243 = arith.cmpi slt, %sub3A_1220, %lt3A_1242 : vector<1x128xi32>
    %select_n3A_1244 = arith.select %lt3A_1243, %dot_general3A_1228, %dot_general3A_1241 : vector<1x128xi1>, vector<1x128xf32>
    %convert_element_type3A_1245 = arith.fptosi %select_n3A_1244 : vector<1x128xf32> to vector<1x128xi32>
    %jit3A_1246 = arith.constant 0 : i32
    %jit3A_1247 = arith.constant 19999 : i32
    %max3A_1248 = vector.broadcast %jit3A_1246 : i32 to vector<1x128xi32>
    %max3A_1249 = arith.maxsi %max3A_1248, %convert_element_type3A_1245 : vector<1x128xi32>
    %min3A_1250 = vector.broadcast %jit3A_1247 : i32 to vector<1x128xi32>
    %min3A_1251 = arith.minsi %min3A_1250, %max3A_1249 : vector<1x128xi32>
    %get3A_1252 = arith.constant 0 : index
    %get3A_1253 = arith.constant 0 : index
    %get3A_1254 = arith.constant 0 : index
    %get3A_1255 = arith.constant 0 : index
    %get3A_1256 = vector.load %arg1[%get3A_1252, %get3A_1253, %get3A_1254, %get3A_1255] : memref<1x4x160x128xf32, #tpu.memory_space<vmem>>, vector<1x1x160x128xf32>
    %get3A_1257 = vector.shape_cast %get3A_1256 : vector<1x1x160x128xf32> to vector<160x128xf32>
    %shift_right_logical3A_1258 = arith.constant 7 : i32
    %shift_right_logical3A_1259 = vector.broadcast %shift_right_logical3A_1258 : i32 to vector<1x128xi32>
    %shift_right_logical3A_1260 = arith.shrui %min3A_1251, %shift_right_logical3A_1259 : vector<1x128xi32>
    %and3A_1261 = arith.constant 127 : i32
    %and3A_1262 = vector.broadcast %and3A_1261 : i32 to vector<1x128xi32>
    %and3A_1263 = arith.andi %min3A_1251, %and3A_1262 : vector<1x128xi32>
    %iota3A_1264 = tpu.iota {dimensions = array<i32: 0>} : vector<160x128xi32>
    %eq3A_1265 = vector.broadcast %shift_right_logical3A_1260 : vector<1x128xi32> to vector<160x128xi32>
    %eq3A_1266 = arith.cmpi eq, %iota3A_1264, %eq3A_1265 : vector<160x128xi32>
    %convert_element_type3A_1267 = arith.extui %eq3A_1266 : vector<160x128xi1> to vector<160x128xi32>
    %convert_element_type3A_1268 = arith.sitofp %convert_element_type3A_1267 : vector<160x128xi32> to vector<160x128xf32>
    %dot_general3A_1269 = arith.constant dense<0.000000e+00> : vector<128x128xf32>
    %dot_general3A_1270 = tpu.matmul %get3A_1257, %convert_element_type3A_1268, %dot_general3A_1269 {dimension_numbers = #tpu.dot_dimension_numbers<[0], [0], [1], [1], [0, 1, 1, 1], [], []>, precision = #tpu.contract_precision<fp32>, transpose_lhs_hint = false} : vector<160x128xf32>, vector<160x128xf32>, vector<128x128xf32> -> vector<128x128xf32>
    %iota3A_1271 = tpu.iota {dimensions = array<i32: 0>} : vector<128x128xi32>
    %eq3A_1272 = vector.broadcast %and3A_1263 : vector<1x128xi32> to vector<128x128xi32>
    %eq3A_1273 = arith.cmpi eq, %iota3A_1271, %eq3A_1272 : vector<128x128xi32>
    %convert_element_type3A_1274 = arith.extui %eq3A_1273 : vector<128x128xi1> to vector<128x128xi32>
    %convert_element_type3A_1275 = arith.sitofp %convert_element_type3A_1274 : vector<128x128xi32> to vector<128x128xf32>
    %mul3A_1276 = arith.mulf %dot_general3A_1270, %convert_element_type3A_1275 : vector<128x128xf32>
    %reduce_sum3A_1277 = arith.constant dense<0.000000e+00> : vector<128xf32>
    %reduce_sum3A_1278 = vector.multi_reduction <add>, %mul3A_1276, %reduce_sum3A_1277 [0] : vector<128x128xf32> to vector<128xf32>
    %broadcast_in_dim3A_1279 = vector.shape_cast %reduce_sum3A_1278 : vector<128xf32> to vector<1x128xf32>
    %get3A_1280 = arith.constant 0 : index
    %get3A_1281 = arith.constant 1 : index
    %get3A_1282 = arith.constant 0 : index
    %get3A_1283 = arith.constant 0 : index
    %get3A_1284 = vector.load %arg1[%get3A_1280, %get3A_1281, %get3A_1282, %get3A_1283] : memref<1x4x160x128xf32, #tpu.memory_space<vmem>>, vector<1x1x160x128xf32>
    %get3A_1285 = vector.shape_cast %get3A_1284 : vector<1x1x160x128xf32> to vector<160x128xf32>
    %shift_right_logical3A_1286 = arith.constant 7 : i32
    %shift_right_logical3A_1287 = vector.broadcast %shift_right_logical3A_1286 : i32 to vector<1x128xi32>
    %shift_right_logical3A_1288 = arith.shrui %min3A_1251, %shift_right_logical3A_1287 : vector<1x128xi32>
    %and3A_1289 = arith.constant 127 : i32
    %and3A_1290 = vector.broadcast %and3A_1289 : i32 to vector<1x128xi32>
    %and3A_1291 = arith.andi %min3A_1251, %and3A_1290 : vector<1x128xi32>
    %iota3A_1292 = tpu.iota {dimensions = array<i32: 0>} : vector<160x128xi32>
    %eq3A_1293 = vector.broadcast %shift_right_logical3A_1288 : vector<1x128xi32> to vector<160x128xi32>
    %eq3A_1294 = arith.cmpi eq, %iota3A_1292, %eq3A_1293 : vector<160x128xi32>
    %convert_element_type3A_1295 = arith.extui %eq3A_1294 : vector<160x128xi1> to vector<160x128xi32>
    %convert_element_type3A_1296 = arith.sitofp %convert_element_type3A_1295 : vector<160x128xi32> to vector<160x128xf32>
    %dot_general3A_1297 = arith.constant dense<0.000000e+00> : vector<128x128xf32>
    %dot_general3A_1298 = tpu.matmul %get3A_1285, %convert_element_type3A_1296, %dot_general3A_1297 {dimension_numbers = #tpu.dot_dimension_numbers<[0], [0], [1], [1], [0, 1, 1, 1], [], []>, precision = #tpu.contract_precision<fp32>, transpose_lhs_hint = false} : vector<160x128xf32>, vector<160x128xf32>, vector<128x128xf32> -> vector<128x128xf32>
    %iota3A_1299 = tpu.iota {dimensions = array<i32: 0>} : vector<128x128xi32>
    %eq3A_1300 = vector.broadcast %and3A_1291 : vector<1x128xi32> to vector<128x128xi32>
    %eq3A_1301 = arith.cmpi eq, %iota3A_1299, %eq3A_1300 : vector<128x128xi32>
    %convert_element_type3A_1302 = arith.extui %eq3A_1301 : vector<128x128xi1> to vector<128x128xi32>
    %convert_element_type3A_1303 = arith.sitofp %convert_element_type3A_1302 : vector<128x128xi32> to vector<128x128xf32>
    %mul3A_1304 = arith.mulf %dot_general3A_1298, %convert_element_type3A_1303 : vector<128x128xf32>
    %reduce_sum3A_1305 = arith.constant dense<0.000000e+00> : vector<128xf32>
    %reduce_sum3A_1306 = vector.multi_reduction <add>, %mul3A_1304, %reduce_sum3A_1305 [0] : vector<128x128xf32> to vector<128xf32>
    %broadcast_in_dim3A_1307 = vector.shape_cast %reduce_sum3A_1306 : vector<128xf32> to vector<1x128xf32>
    %get3A_1308 = arith.constant 0 : index
    %get3A_1309 = arith.constant 2 : index
    %get3A_1310 = arith.constant 0 : index
    %get3A_1311 = arith.constant 0 : index
    %get3A_1312 = vector.load %arg1[%get3A_1308, %get3A_1309, %get3A_1310, %get3A_1311] : memref<1x4x160x128xf32, #tpu.memory_space<vmem>>, vector<1x1x160x128xf32>
    %get3A_1313 = vector.shape_cast %get3A_1312 : vector<1x1x160x128xf32> to vector<160x128xf32>
    %shift_right_logical3A_1314 = arith.constant 7 : i32
    %shift_right_logical3A_1315 = vector.broadcast %shift_right_logical3A_1314 : i32 to vector<1x128xi32>
    %shift_right_logical3A_1316 = arith.shrui %min3A_1251, %shift_right_logical3A_1315 : vector<1x128xi32>
    %and3A_1317 = arith.constant 127 : i32
    %and3A_1318 = vector.broadcast %and3A_1317 : i32 to vector<1x128xi32>
    %and3A_1319 = arith.andi %min3A_1251, %and3A_1318 : vector<1x128xi32>
    %iota3A_1320 = tpu.iota {dimensions = array<i32: 0>} : vector<160x128xi32>
    %eq3A_1321 = vector.broadcast %shift_right_logical3A_1316 : vector<1x128xi32> to vector<160x128xi32>
    %eq3A_1322 = arith.cmpi eq, %iota3A_1320, %eq3A_1321 : vector<160x128xi32>
    %convert_element_type3A_1323 = arith.extui %eq3A_1322 : vector<160x128xi1> to vector<160x128xi32>
    %convert_element_type3A_1324 = arith.sitofp %convert_element_type3A_1323 : vector<160x128xi32> to vector<160x128xf32>
    %dot_general3A_1325 = arith.constant dense<0.000000e+00> : vector<128x128xf32>
    %dot_general3A_1326 = tpu.matmul %get3A_1313, %convert_element_type3A_1324, %dot_general3A_1325 {dimension_numbers = #tpu.dot_dimension_numbers<[0], [0], [1], [1], [0, 1, 1, 1], [], []>, precision = #tpu.contract_precision<fp32>, transpose_lhs_hint = false} : vector<160x128xf32>, vector<160x128xf32>, vector<128x128xf32> -> vector<128x128xf32>
    %iota3A_1327 = tpu.iota {dimensions = array<i32: 0>} : vector<128x128xi32>
    %eq3A_1328 = vector.broadcast %and3A_1319 : vector<1x128xi32> to vector<128x128xi32>
    %eq3A_1329 = arith.cmpi eq, %iota3A_1327, %eq3A_1328 : vector<128x128xi32>
    %convert_element_type3A_1330 = arith.extui %eq3A_1329 : vector<128x128xi1> to vector<128x128xi32>
    %convert_element_type3A_1331 = arith.sitofp %convert_element_type3A_1330 : vector<128x128xi32> to vector<128x128xf32>
    %mul3A_1332 = arith.mulf %dot_general3A_1326, %convert_element_type3A_1331 : vector<128x128xf32>
    %reduce_sum3A_1333 = arith.constant dense<0.000000e+00> : vector<128xf32>
    %reduce_sum3A_1334 = vector.multi_reduction <add>, %mul3A_1332, %reduce_sum3A_1333 [0] : vector<128x128xf32> to vector<128xf32>
    %broadcast_in_dim3A_1335 = vector.shape_cast %reduce_sum3A_1334 : vector<128xf32> to vector<1x128xf32>
    %get3A_1336 = arith.constant 0 : index
    %get3A_1337 = arith.constant 3 : index
    %get3A_1338 = arith.constant 0 : index
    %get3A_1339 = arith.constant 0 : index
    %get3A_1340 = vector.load %arg1[%get3A_1336, %get3A_1337, %get3A_1338, %get3A_1339] : memref<1x4x160x128xf32, #tpu.memory_space<vmem>>, vector<1x1x160x128xf32>
    %get3A_1341 = vector.shape_cast %get3A_1340 : vector<1x1x160x128xf32> to vector<160x128xf32>
    %shift_right_logical3A_1342 = arith.constant 7 : i32
    %shift_right_logical3A_1343 = vector.broadcast %shift_right_logical3A_1342 : i32 to vector<1x128xi32>
    %shift_right_logical3A_1344 = arith.shrui %min3A_1251, %shift_right_logical3A_1343 : vector<1x128xi32>
    %and3A_1345 = arith.constant 127 : i32
    %and3A_1346 = vector.broadcast %and3A_1345 : i32 to vector<1x128xi32>
    %and3A_1347 = arith.andi %min3A_1251, %and3A_1346 : vector<1x128xi32>
    %iota3A_1348 = tpu.iota {dimensions = array<i32: 0>} : vector<160x128xi32>
    %eq3A_1349 = vector.broadcast %shift_right_logical3A_1344 : vector<1x128xi32> to vector<160x128xi32>
    %eq3A_1350 = arith.cmpi eq, %iota3A_1348, %eq3A_1349 : vector<160x128xi32>
    %convert_element_type3A_1351 = arith.extui %eq3A_1350 : vector<160x128xi1> to vector<160x128xi32>
    %convert_element_type3A_1352 = arith.sitofp %convert_element_type3A_1351 : vector<160x128xi32> to vector<160x128xf32>
    %dot_general3A_1353 = arith.constant dense<0.000000e+00> : vector<128x128xf32>
    %dot_general3A_1354 = tpu.matmul %get3A_1341, %convert_element_type3A_1352, %dot_general3A_1353 {dimension_numbers = #tpu.dot_dimension_numbers<[0], [0], [1], [1], [0, 1, 1, 1], [], []>, precision = #tpu.contract_precision<fp32>, transpose_lhs_hint = false} : vector<160x128xf32>, vector<160x128xf32>, vector<128x128xf32> -> vector<128x128xf32>
    %iota3A_1355 = tpu.iota {dimensions = array<i32: 0>} : vector<128x128xi32>
    %eq3A_1356 = vector.broadcast %and3A_1347 : vector<1x128xi32> to vector<128x128xi32>
    %eq3A_1357 = arith.cmpi eq, %iota3A_1355, %eq3A_1356 : vector<128x128xi32>
    %convert_element_type3A_1358 = arith.extui %eq3A_1357 : vector<128x128xi1> to vector<128x128xi32>
    %convert_element_type3A_1359 = arith.sitofp %convert_element_type3A_1358 : vector<128x128xi32> to vector<128x128xf32>
    %mul3A_1360 = arith.mulf %dot_general3A_1354, %convert_element_type3A_1359 : vector<128x128xf32>
    %reduce_sum3A_1361 = arith.constant dense<0.000000e+00> : vector<128xf32>
    %reduce_sum3A_1362 = vector.multi_reduction <add>, %mul3A_1360, %reduce_sum3A_1361 [0] : vector<128x128xf32> to vector<128xf32>
    %broadcast_in_dim3A_1363 = vector.shape_cast %reduce_sum3A_1362 : vector<128xf32> to vector<1x128xf32>
    %slice3A_1364 = vector.extract_strided_slice %get3A_34 {offsets = [0, 0], sizes = [64, 1], strides = [1, 1]} : vector<64x8xf32> to vector<64x1xf32>
    %slice3A_1365 = vector.extract_strided_slice %get3A_34 {offsets = [0, 1], sizes = [64, 1], strides = [1, 1]} : vector<64x8xf32> to vector<64x1xf32>
    %slice3A_1366 = vector.extract_strided_slice %get3A_34 {offsets = [0, 2], sizes = [64, 1], strides = [1, 1]} : vector<64x8xf32> to vector<64x1xf32>
    %slice3A_1367 = vector.extract_strided_slice %get3A_34 {offsets = [0, 3], sizes = [64, 1], strides = [1, 1]} : vector<64x8xf32> to vector<64x1xf32>
    %sub3A_1368 = arith.subf %slice3A_1366, %slice3A_1364 : vector<64x1xf32>
    %add3A_1369 = arith.constant 1.000000e+00 : f32
    %add3A_1370 = vector.broadcast %add3A_1369 : f32 to vector<64x1xf32>
    %add3A_1371 = arith.addf %sub3A_1368, %add3A_1370 : vector<64x1xf32>
    %sub3A_1372 = arith.subf %slice3A_1367, %slice3A_1365 : vector<64x1xf32>
    %add3A_1373 = arith.constant 1.000000e+00 : f32
    %add3A_1374 = vector.broadcast %add3A_1373 : f32 to vector<64x1xf32>
    %add3A_1375 = arith.addf %sub3A_1372, %add3A_1374 : vector<64x1xf32>
    %mul3A_1376 = arith.mulf %add3A_1371, %add3A_1375 : vector<64x1xf32>
    %sub3A_1377 = arith.subf %broadcast_in_dim3A_1335, %broadcast_in_dim3A_1279 : vector<1x128xf32>
    %add3A_1378 = arith.constant 1.000000e+00 : f32
    %add3A_1379 = vector.broadcast %add3A_1378 : f32 to vector<1x128xf32>
    %add3A_1380 = arith.addf %sub3A_1377, %add3A_1379 : vector<1x128xf32>
    %sub3A_1381 = arith.subf %broadcast_in_dim3A_1363, %broadcast_in_dim3A_1307 : vector<1x128xf32>
    %add3A_1382 = arith.constant 1.000000e+00 : f32
    %add3A_1383 = vector.broadcast %add3A_1382 : f32 to vector<1x128xf32>
    %add3A_1384 = arith.addf %sub3A_1381, %add3A_1383 : vector<1x128xf32>
    %mul3A_1385 = arith.mulf %add3A_1380, %add3A_1384 : vector<1x128xf32>
    %max3A_1386 = vector.broadcast %broadcast_in_dim3A_1279 : vector<1x128xf32> to vector<64x128xf32>
    %max3A_1387 = vector.broadcast %slice3A_1364 : vector<64x1xf32> to vector<64x128xf32>
    %max3A_1388 = arith.maximumf %max3A_1386, %max3A_1387 : vector<64x128xf32>
    %max3A_1389 = vector.broadcast %broadcast_in_dim3A_1307 : vector<1x128xf32> to vector<64x128xf32>
    %max3A_1390 = vector.broadcast %slice3A_1365 : vector<64x1xf32> to vector<64x128xf32>
    %max3A_1391 = arith.maximumf %max3A_1389, %max3A_1390 : vector<64x128xf32>
    %min3A_1392 = vector.broadcast %broadcast_in_dim3A_1335 : vector<1x128xf32> to vector<64x128xf32>
    %min3A_1393 = vector.broadcast %slice3A_1366 : vector<64x1xf32> to vector<64x128xf32>
    %min3A_1394 = arith.minimumf %min3A_1392, %min3A_1393 : vector<64x128xf32>
    %min3A_1395 = vector.broadcast %broadcast_in_dim3A_1363 : vector<1x128xf32> to vector<64x128xf32>
    %min3A_1396 = vector.broadcast %slice3A_1367 : vector<64x1xf32> to vector<64x128xf32>
    %min3A_1397 = arith.minimumf %min3A_1395, %min3A_1396 : vector<64x128xf32>
    %sub3A_1398 = arith.subf %min3A_1394, %max3A_1388 : vector<64x128xf32>
    %add3A_1399 = arith.constant 1.000000e+00 : f32
    %add3A_1400 = vector.broadcast %add3A_1399 : f32 to vector<64x128xf32>
    %add3A_1401 = arith.addf %sub3A_1398, %add3A_1400 : vector<64x128xf32>
    %max3A_1402 = arith.constant 0.000000e+00 : f32
    %max3A_1403 = vector.broadcast %max3A_1402 : f32 to vector<64x128xf32>
    %max3A_1404 = arith.maximumf %add3A_1401, %max3A_1403 : vector<64x128xf32>
    %sub3A_1405 = arith.subf %min3A_1397, %max3A_1391 : vector<64x128xf32>
    %add3A_1406 = arith.constant 1.000000e+00 : f32
    %add3A_1407 = vector.broadcast %add3A_1406 : f32 to vector<64x128xf32>
    %add3A_1408 = arith.addf %sub3A_1405, %add3A_1407 : vector<64x128xf32>
    %max3A_1409 = arith.constant 0.000000e+00 : f32
    %max3A_1410 = vector.broadcast %max3A_1409 : f32 to vector<64x128xf32>
    %max3A_1411 = arith.maximumf %add3A_1408, %max3A_1410 : vector<64x128xf32>
    %mul3A_1412 = arith.mulf %max3A_1404, %max3A_1411 : vector<64x128xf32>
    %add3A_1413 = vector.broadcast %mul3A_1385 : vector<1x128xf32> to vector<64x128xf32>
    %add3A_1414 = vector.broadcast %mul3A_1376 : vector<64x1xf32> to vector<64x128xf32>
    %add3A_1415 = arith.addf %add3A_1413, %add3A_1414 : vector<64x128xf32>
    %sub3A_1416 = arith.subf %add3A_1415, %mul3A_1412 : vector<64x128xf32>
    %div3A_1417 = arith.divf %mul3A_1412, %sub3A_1416 : vector<64x128xf32>
    %reduce_max3A_1418 = arith.constant dense<0xFF800000> : vector<128xf32>
    %reduce_max3A_1419 = vector.multi_reduction <maximumf>, %div3A_1417, %reduce_max3A_1418 [0] : vector<64x128xf32> to vector<128xf32>
    %broadcast_in_dim3A_1420 = vector.shape_cast %reduce_max3A_1419 : vector<128xf32> to vector<1x128xf32>
    %eq3A_1421 = vector.broadcast %broadcast_in_dim3A_1420 : vector<1x128xf32> to vector<64x128xf32>
    %eq3A_1422 = arith.cmpf oeq, %div3A_1417, %eq3A_1421 : vector<64x128xf32>
    %jit3A_1423 = arith.constant 64 : i32
    %broadcast_in_dim3A_1424 = vector.broadcast %jit3A_1423 : i32 to vector<64x128xi32>
    %select_n3A_1425 = arith.select %eq3A_1422, %iota3A_30, %broadcast_in_dim3A_1424 : vector<64x128xi1>, vector<64x128xi32>
    %reduce_min3A = arith.constant dense<2147483647> : vector<128xi32>
    %reduce_min3A_1426 = vector.multi_reduction <minsi>, %select_n3A_1425, %reduce_min3A [0] : vector<64x128xi32> to vector<128xi32>
    %broadcast_in_dim3A_1427 = vector.shape_cast %reduce_min3A_1426 : vector<128xi32> to vector<1x128xi32>
    %eq3A_1428 = vector.broadcast %broadcast_in_dim3A_1427 : vector<1x128xi32> to vector<64x128xi32>
    %eq3A_1429 = arith.cmpi eq, %iota3A_30, %eq3A_1428 : vector<64x128xi32>
    %convert_element_type3A_1430 = arith.extui %eq3A_1429 : vector<64x128xi1> to vector<64x128xi32>
    %convert_element_type3A_1431 = arith.sitofp %convert_element_type3A_1430 : vector<64x128xi32> to vector<64x128xf32>
    %dot_general3A_1432 = arith.constant dense<0.000000e+00> : vector<8x128xf32>
    %dot_general3A_1433 = tpu.matmul %get3A_34, %convert_element_type3A_1431, %dot_general3A_1432 {dimension_numbers = #tpu.dot_dimension_numbers<[0], [0], [1], [1], [0, 1, 1, 1], [], []>, precision = #tpu.contract_precision<fp32>, transpose_lhs_hint = false} : vector<64x8xf32>, vector<64x128xf32>, vector<8x128xf32> -> vector<8x128xf32>
    %gt3A_1434 = arith.constant 0 : i32
    %gt3A_1435 = arith.cmpi sgt, %convert_element_type3A_854, %gt3A_1434 : i32
    %jit3A_1436 = arith.constant 0 : i32
    %select_n3A_1437 = arith.select %gt3A_1435, %select_n3A_874, %jit3A_1436 : i32
    %lt3A_1438 = vector.broadcast %select_n3A_1437 : i32 to vector<1x128xi32>
    %lt3A_1439 = arith.cmpi slt, %iota3A_16, %lt3A_1438 : vector<1x128xi32>
    %convert_element_type3A_1440 = arith.extui %lt3A_1439 : vector<1x128xi1> to vector<1x128xi32>
    %convert_element_type3A_1441 = arith.sitofp %convert_element_type3A_1440 : vector<1x128xi32> to vector<1x128xf32>
    %slice3A_1442 = vector.extract_strided_slice %dot_general3A_1433 {offsets = [4, 0], sizes = [1, 128], strides = [1, 1]} : vector<8x128xf32> to vector<1x128xf32>
    %mul3A_1443 = arith.mulf %slice3A_1442, %convert_element_type3A_1441 : vector<1x128xf32>
    %sub3A_1444 = arith.subf %broadcast_in_dim3A_1335, %broadcast_in_dim3A_1279 : vector<1x128xf32>
    %add3A_1445 = arith.constant 1.000000e+00 : f32
    %add3A_1446 = vector.broadcast %add3A_1445 : f32 to vector<1x128xf32>
    %add3A_1447 = arith.addf %sub3A_1444, %add3A_1446 : vector<1x128xf32>
    %sub3A_1448 = arith.subf %broadcast_in_dim3A_1363, %broadcast_in_dim3A_1307 : vector<1x128xf32>
    %add3A_1449 = arith.constant 1.000000e+00 : f32
    %add3A_1450 = vector.broadcast %add3A_1449 : f32 to vector<1x128xf32>
    %add3A_1451 = arith.addf %sub3A_1448, %add3A_1450 : vector<1x128xf32>
    %mul3A_1452 = arith.constant 5.000000e-01 : f32
    %mul3A_1453 = vector.broadcast %mul3A_1452 : f32 to vector<1x128xf32>
    %mul3A_1454 = arith.mulf %mul3A_1453, %add3A_1447 : vector<1x128xf32>
    %add3A_1455 = arith.addf %broadcast_in_dim3A_1279, %mul3A_1454 : vector<1x128xf32>
    %mul3A_1456 = arith.constant 5.000000e-01 : f32
    %mul3A_1457 = vector.broadcast %mul3A_1456 : f32 to vector<1x128xf32>
    %mul3A_1458 = arith.mulf %mul3A_1457, %add3A_1451 : vector<1x128xf32>
    %add3A_1459 = arith.addf %broadcast_in_dim3A_1307, %mul3A_1458 : vector<1x128xf32>
    %slice3A_1460 = vector.extract_strided_slice %dot_general3A_1433 {offsets = [2, 0], sizes = [1, 128], strides = [1, 1]} : vector<8x128xf32> to vector<1x128xf32>
    %slice3A_1461 = vector.extract_strided_slice %dot_general3A_1433 {offsets = [0, 0], sizes = [1, 128], strides = [1, 1]} : vector<8x128xf32> to vector<1x128xf32>
    %sub3A_1462 = arith.subf %slice3A_1460, %slice3A_1461 : vector<1x128xf32>
    %add3A_1463 = arith.constant 1.000000e+00 : f32
    %add3A_1464 = vector.broadcast %add3A_1463 : f32 to vector<1x128xf32>
    %add3A_1465 = arith.addf %sub3A_1462, %add3A_1464 : vector<1x128xf32>
    %slice3A_1466 = vector.extract_strided_slice %dot_general3A_1433 {offsets = [3, 0], sizes = [1, 128], strides = [1, 1]} : vector<8x128xf32> to vector<1x128xf32>
    %slice3A_1467 = vector.extract_strided_slice %dot_general3A_1433 {offsets = [1, 0], sizes = [1, 128], strides = [1, 1]} : vector<8x128xf32> to vector<1x128xf32>
    %sub3A_1468 = arith.subf %slice3A_1466, %slice3A_1467 : vector<1x128xf32>
    %add3A_1469 = arith.constant 1.000000e+00 : f32
    %add3A_1470 = vector.broadcast %add3A_1469 : f32 to vector<1x128xf32>
    %add3A_1471 = arith.addf %sub3A_1468, %add3A_1470 : vector<1x128xf32>
    %slice3A_1472 = vector.extract_strided_slice %dot_general3A_1433 {offsets = [0, 0], sizes = [1, 128], strides = [1, 1]} : vector<8x128xf32> to vector<1x128xf32>
    %mul3A_1473 = arith.constant 5.000000e-01 : f32
    %mul3A_1474 = vector.broadcast %mul3A_1473 : f32 to vector<1x128xf32>
    %mul3A_1475 = arith.mulf %mul3A_1474, %add3A_1465 : vector<1x128xf32>
    %add3A_1476 = arith.addf %slice3A_1472, %mul3A_1475 : vector<1x128xf32>
    %slice3A_1477 = vector.extract_strided_slice %dot_general3A_1433 {offsets = [1, 0], sizes = [1, 128], strides = [1, 1]} : vector<8x128xf32> to vector<1x128xf32>
    %mul3A_1478 = arith.constant 5.000000e-01 : f32
    %mul3A_1479 = vector.broadcast %mul3A_1478 : f32 to vector<1x128xf32>
    %mul3A_1480 = arith.mulf %mul3A_1479, %add3A_1471 : vector<1x128xf32>
    %add3A_1481 = arith.addf %slice3A_1477, %mul3A_1480 : vector<1x128xf32>
    %sub3A_1482 = arith.subf %add3A_1476, %add3A_1455 : vector<1x128xf32>
    %div3A_1483 = arith.divf %sub3A_1482, %add3A_1447 : vector<1x128xf32>
    %sub3A_1484 = arith.subf %add3A_1481, %add3A_1459 : vector<1x128xf32>
    %div3A_1485 = arith.divf %sub3A_1484, %add3A_1451 : vector<1x128xf32>
    %div3A_1486 = arith.divf %add3A_1465, %add3A_1447 : vector<1x128xf32>
    %log3A = math.log %div3A_1486 : vector<1x128xf32>
    %div3A_1487 = arith.divf %add3A_1471, %add3A_1451 : vector<1x128xf32>
    %log3A_1488 = math.log %div3A_1487 : vector<1x128xf32>
    %gt3A_1489 = arith.constant 0.000000e+00 : f32
    %gt3A_1490 = vector.broadcast %gt3A_1489 : f32 to vector<1x128xf32>
    %gt3A_1491 = arith.cmpf ogt, %mul3A_1443, %gt3A_1490 : vector<1x128xf32>
    %convert_element_type3A_1492 = arith.extui %gt3A_1491 : vector<1x128xi1> to vector<1x128xi32>
    %convert_element_type3A_1493 = arith.sitofp %convert_element_type3A_1492 : vector<1x128xi32> to vector<1x128xf32>
    %mul3A_1494 = arith.constant 1 : i32
    %mul3A_1495 = arith.muli %arg0, %mul3A_1494 : i32
    %add3A_1496 = arith.constant 0 : i32
    %add3A_1497 = arith.addi %mul3A_1495, %add3A_1496 : i32
    %broadcast_in_dim3A_1498 = arith.constant 0.000000e+00 : f32
    %broadcast_in_dim3A_1499 = vector.broadcast %broadcast_in_dim3A_1498 : f32 to vector<1x128xf32>
    %convert_element_type3A_1500 = arith.sitofp %add3A_1497 : i32 to f32
    %add3A_1501 = vector.broadcast %convert_element_type3A_1500 : f32 to vector<1x128xf32>
    %add3A_1502 = arith.addf %broadcast_in_dim3A_1499, %add3A_1501 : vector<1x128xf32>
    %swap3A = arith.constant 0 : index
    %swap3A_1503 = arith.constant 0 : index
    %swap3A_1504 = arith.constant 0 : index
    %swap3A_1505 = vector.load %arg5[%swap3A, %swap3A_1503, %swap3A_1504] : memref<1x1x128xf32, #tpu.memory_space<vmem>>, vector<1x1x128xf32>
    %swap3A_1506 = vector.shape_cast %swap3A_1505 : vector<1x1x128xf32> to vector<1x128xf32>
    %swap3A_1507 = vector.shape_cast %mul3A_1443 : vector<1x128xf32> to vector<1x1x128xf32>
    tpu.vector_store %arg5[%swap3A, %swap3A_1503, %swap3A_1504], %swap3A_1507 {strides = array<i32>} : memref<1x1x128xf32, #tpu.memory_space<vmem>>, vector<1x1x128xf32>,
    %concatenate3A_1508 = tpu.concatenate %add3A_1502, %broadcast_in_dim3A_1279, %broadcast_in_dim3A_1307, %broadcast_in_dim3A_1335, %broadcast_in_dim3A_1363 in 0 : vector<1x128xf32>, vector<1x128xf32>, vector<1x128xf32>, vector<1x128xf32>, vector<1x128xf32> -> vector<5x128xf32>
    %swap3A_1509 = arith.constant 0 : index
    %swap3A_1510 = arith.constant 0 : index
    %swap3A_1511 = arith.constant 0 : index
    %swap3A_1512 = vector.load %arg6[%swap3A_1509, %swap3A_1510, %swap3A_1511] : memref<1x5x128xf32, #tpu.memory_space<vmem>>, vector<1x5x128xf32>
    %swap3A_1513 = vector.shape_cast %swap3A_1512 : vector<1x5x128xf32> to vector<5x128xf32>
    %swap3A_1514 = vector.shape_cast %concatenate3A_1508 : vector<5x128xf32> to vector<1x5x128xf32>
    tpu.vector_store %arg6[%swap3A_1509, %swap3A_1510, %swap3A_1511], %swap3A_1514 {strides = array<i32>} : memref<1x5x128xf32, #tpu.memory_space<vmem>>, vector<1x5x128xf32>,
    %concatenate3A_1515 = tpu.concatenate %div3A_1483, %div3A_1485, %log3A, %log3A_1488 in 0 : vector<1x128xf32>, vector<1x128xf32>, vector<1x128xf32>, vector<1x128xf32> -> vector<4x128xf32>
    %mul3A_1516 = vector.broadcast %convert_element_type3A_1493 : vector<1x128xf32> to vector<4x128xf32>
    %mul3A_1517 = arith.mulf %concatenate3A_1515, %mul3A_1516 : vector<4x128xf32>
    %swap3A_1518 = arith.constant 0 : index
    %swap3A_1519 = arith.constant 0 : index
    %swap3A_1520 = arith.constant 0 : index
    %swap3A_1521 = vector.load %arg7[%swap3A_1518, %swap3A_1519, %swap3A_1520] : memref<1x4x128xf32, #tpu.memory_space<vmem>>, vector<1x4x128xf32>
    %swap3A_1522 = vector.shape_cast %swap3A_1521 : vector<1x4x128xf32> to vector<4x128xf32>
    %swap3A_1523 = vector.shape_cast %mul3A_1517 : vector<4x128xf32> to vector<1x4x128xf32>
    tpu.vector_store %arg7[%swap3A_1518, %swap3A_1519, %swap3A_1520], %swap3A_1523 {strides = array<i32>} : memref<1x4x128xf32, #tpu.memory_space<vmem>>, vector<1x4x128xf32>,
    %swap3A_1524 = arith.constant 0 : index
    %swap3A_1525 = arith.constant 0 : index
    %swap3A_1526 = arith.constant 0 : index
    %swap3A_1527 = vector.load %arg8[%swap3A_1524, %swap3A_1525, %swap3A_1526] : memref<1x1x128xf32, #tpu.memory_space<vmem>>, vector<1x1x128xf32>
    %swap3A_1528 = vector.shape_cast %swap3A_1527 : vector<1x1x128xf32> to vector<1x128xf32>
    %swap3A_1529 = vector.shape_cast %convert_element_type3A_1493 : vector<1x128xf32> to vector<1x1x128xf32>
    tpu.vector_store %arg8[%swap3A_1524, %swap3A_1525, %swap3A_1526], %swap3A_1529 {strides = array<i32>} : memref<1x1x128xf32, #tpu.memory_space<vmem>>, vector<1x1x128xf32>,
    %mul3A_1530 = arith.constant 20000 : i32
    %mul3A_1531 = arith.muli %add3A_1497, %mul3A_1530 : i32
    %add3A_1532 = vector.broadcast %mul3A_1531 : i32 to vector<1x128xi32>
    %add3A_1533 = arith.addi %min3A_1251, %add3A_1532 : vector<1x128xi32>
    %swap3A_1534 = arith.constant 0 : index
    %swap3A_1535 = arith.constant 0 : index
    %swap3A_1536 = arith.constant 0 : index
    %swap3A_1537 = vector.load %arg9[%swap3A_1534, %swap3A_1535, %swap3A_1536] : memref<1x1x128xi32, #tpu.memory_space<vmem>>, vector<1x1x128xi32>
    %swap3A_1538 = vector.shape_cast %swap3A_1537 : vector<1x1x128xi32> to vector<1x128xi32>
    %swap3A_1539 = vector.shape_cast %add3A_1533 : vector<1x128xi32> to vector<1x1x128xi32>
    tpu.vector_store %arg9[%swap3A_1534, %swap3A_1535, %swap3A_1536], %swap3A_1539 {strides = array<i32>} : memref<1x1x128xi32, #tpu.memory_space<vmem>>, vector<1x1x128xi32>,
    return
  }
  func.func @transform_0(%arg0: i32) -> (i32, i32, i32, i32) {
    %c0_i32 = arith.constant 0 : i32
    %c0_i32_0 = arith.constant 0 : i32
    %c0_i32_1 = arith.constant 0 : i32
    %c0_i32_2 = arith.constant 0 : i32
    return %arg0, %c0_i32, %c0_i32_0, %c0_i32_1 : i32, i32, i32, i32
  }
  func.func @transform_1(%arg0: i32) -> (i32, i32, i32) {
    %c0_i32 = arith.constant 0 : i32
    %c0_i32_0 = arith.constant 0 : i32
    %c0_i32_1 = arith.constant 0 : i32
    return %arg0, %c0_i32, %c0_i32_0 : i32, i32, i32
  }
  func.func @transform_2(%arg0: i32) -> (i32, i32, i32, i32) {
    %c0_i32 = arith.constant 0 : i32
    %c0_i32_0 = arith.constant 0 : i32
    %c0_i32_1 = arith.constant 0 : i32
    %c0_i32_2 = arith.constant 0 : i32
    return %arg0, %c0_i32, %c0_i32_0, %c0_i32_1 : i32, i32, i32, i32
  }
  func.func @transform_3(%arg0: i32) -> (i32, i32, i32) {
    %c0_i32 = arith.constant 0 : i32
    %c0_i32_0 = arith.constant 0 : i32
    %c0_i32_1 = arith.constant 0 : i32
    return %arg0, %c0_i32, %c0_i32_0 : i32, i32, i32
  }
  func.func @transform_4(%arg0: i32) -> (i32, i32, i32) {
    %c0_i32 = arith.constant 0 : i32
    %c0_i32_0 = arith.constant 0 : i32
    %c0_i32_1 = arith.constant 0 : i32
    return %arg0, %c0_i32, %c0_i32_0 : i32, i32, i32
  }
  func.func @transform_5(%arg0: i32) -> (i32, i32, i32) {
    %c0_i32 = arith.constant 0 : i32
    %c0_i32_0 = arith.constant 0 : i32
    %c0_i32_1 = arith.constant 0 : i32
    return %arg0, %c0_i32, %c0_i32_0 : i32, i32, i32
  }
  func.func @transform_6(%arg0: i32) -> (i32, i32, i32) {
    %c0_i32 = arith.constant 0 : i32
    %c0_i32_0 = arith.constant 0 : i32
    %c0_i32_1 = arith.constant 0 : i32
    return %arg0, %c0_i32, %c0_i32_0 : i32, i32, i32
  }
  func.func @transform_7(%arg0: i32) -> (i32, i32, i32) {
    %c0_i32 = arith.constant 0 : i32
    %c0_i32_0 = arith.constant 0 : i32
    %c0_i32_1 = arith.constant 0 : i32
    return %arg0, %c0_i32, %c0_i32_0 : i32, i32, i32
  }
  func.func @transform_8(%arg0: i32) -> (i32, i32, i32) {
    %c0_i32 = arith.constant 0 : i32
    %c0_i32_0 = arith.constant 0 : i32
    %c0_i32_1 = arith.constant 0 : i32
    return %arg0, %c0_i32, %c0_i32_0 : i32, i32, i32
  }
}

</mosaic_0001>

<sc_bundles>
// kernel: kernel.4.cloned.1.call-start
scs
__scs_entry_jumppad:
0x0: {  	(pc) =	sbr.rel $0x88, $3  }
0x1: {  	(tag) =	ssettag $0x0;
	lr =	simm.s32 $0x1  }
0x2: {  	[smem:$0x3F9F] =	sst lr;
	_ =	strace $0xD0000000  }
0x3: {  	_ = 	snop  }
0x4: {  	_ = 	snop  }
0x5: {  	_ = 	snop  }
0x6: {  	_ = 	snop  }
0x7: {  	_ = 	snop  }
__scs_overlays_trampoline_lowered:
0x8: {  	[smem:$0x3FAE] =	sst s0  }
0x9: {  	[smem:$0x3FAF] =	sst s1  }
0xa: {  	[smem:$0x3FB0] =	sst s2  }
0xb: {  	[smem:$0x3FB1] =	sst s3  }
0xc: {  	[smem:$0x3FB2] =	sst s4  }
0xd: {  	[smem:$0x3FB3] =	sst s5  }
0xe: {  	[smem:$0x3FB4] =	sst s6  }
0xf: {  	[smem:$0x3FB5] =	sst s7  }
0x10: {  	[smem:$0x3FB6] =	sst s8  }
0x11: {  	[smem:$0x3FB7] =	sst s9;
	s0 =	simm.s32 @!p0 $0x0  }
0x12: {  	s1 =	sld [smem:$0x3F9D];
	s0 =	simm.s32 @p0 $0x1  }
0x13: {  	[smem:$0x3FB8] =	sst s0;
	s0 =	simm.s32 @!p1 $0x0  }
0x14: {  	s2 =	sld [smem:$0x3F9C];
	s0 =	simm.s32 @p1 $0x1  }
0x15: {  	[smem:$0x3FB9] =	sst s0;
	s0 =	simm.s32 @!p2 $0x0  }
0x16: {  	s3 =	sld [smem:$0x3FDB];
	s0 =	simm.s32 @p2 $0x1  }
0x17: {  	s4 =	simm.s32 $0x1BF5;
	[smem:$0x3FBB] =	sst s0  }
0x18: {  	s0 =	sld [smem:$0x3F9E];
	_ =	swait.ge [sflag:s4], $0x0  }
0x19: {  	s7 =	sld [smem:$0x3F9F]  }
0x1a: {  	s8 =	sadd.s32 $0xFFFFE003, lr  }
0x1b: {  	s9 =	sadd.s32 $0xFFFFFEF7, lr;
	s5 =	simm.s32 $0xFFFFFFFF;
	p2 =	slt.u32 s8, $0xFFFFF086  }
0x1c: {  	p1 =	slt.u32 s9, $0xF7A;
	s5 =	simm.s32 @!p2 $0x0  }
0x1d: {  	s5 =	simm.s32 @p1 $0x1;
	p0 =	seq.s32 s7, s2  }
0x1e: {  	s7 =	smul.u32 @!p0 $0xF7A, s2;
	p2 =	seq.s32 @!p0 s5, $0x0  }
0x1f: {  	s9 =	smul.u32 $0xF7A, s1;
	s8 =	simm.s32 @!p0 $0x1BF5;
	p2 =	por !p2, p0  }
0x20: {  	[sflag:s8] =	ssyncset.s32 @!p0 $0xFFFFF086;
	s6 =	sadd.s32 @!p0 s3, s7;
	s7 =	simm.s32 @!p0 $0x108  }
0x21: {  	s3 =	sadd.s32 s3, s9;
	s6 =	sadd.s32 @!p0 $0x88, s6;
	s7 =	simm.s32 @p2 $0x1082  }
0x22: {  	[simem:s7], [sflag:s8] =	dma.local @!p0 [hbm:s6], $0xF7A  }
0x23: {  	s9 =	sor.u32 $0xD0000000, s2;
	s6 =	simm.s32 $0x108;
	_ =	swait.ge @!p0 [sflag:s8], $0x0  }
0x24: {  	s3 =	sadd.s32 $0x88, s3;
	s6 =	simm.s32 @!p1 $0x1082;
	[sflag:s4] =	ssyncset.s32 $0xFFFFF086  }
0x25: {  	[simem:s6], [sflag:s4] =	dma.local [hbm:s3], $0xF7A  }
0x26: {  	[smem:$0x3F9F] =	sst s1;
	(tag) =	ssettag s2;
	_ =	strace s9  }
0x27: {  	s1 =	sld [smem:$0x3FAF]  }
0x28: {  	s2 =	sld [smem:$0x3FB0]  }
0x29: {  	s4 =	sld [smem:$0x3FB2]  }
0x2a: {  	p0 =	seq.s32 s5, $0x0;
	s5 =	sld [smem:$0x3FB3]  }
0x2b: {  	s6 =	sld [smem:$0x3FB4]  }
0x2c: {  	s7 =	sld [smem:$0x3FB5]  }
0x2d: {  	s3 =	simm.s32 $0x108;
	s8 =	sld [smem:$0x3FB6]  }
0x2e: {  	s3 =	simm.s32 @!p0 $0x1082;
	s9 =	sld [smem:$0x3FB7]  }
0x2f: {  	lr =	sadd.s32 s0, s3;
	s0 =	sld [smem:$0x3FAE]  }
0x30: {  	s3 =	sld [smem:$0x3FB1]  }
0x31: {  	[smem:$0x3FBA] =	sst s10  }
0x32: {  	s10 =	sld [smem:$0x3FB8];
	_ =	sdelay $0x3  }
0x33: {  	p0 =	seq.s32 s10, $0x1;
	s10 =	sld [smem:$0x3FBA];
	_ =	sdelay $0x3  }
0x34: {  	[smem:$0x3FBA] =	sst s10  }
0x35: {  	s10 =	sld [smem:$0x3FB9];
	_ =	sdelay $0x3  }
0x36: {  	p1 =	seq.s32 s10, $0x1;
	s10 =	sld [smem:$0x3FBA];
	_ =	sdelay $0x3  }
0x37: {  	[smem:$0x3FBA] =	sst s10  }
0x38: {  	s10 =	sld [smem:$0x3FBB]  }
0x39: {  	_ = 	snop;
	(pc) =	sbr.ind lr, $3  }
0x3a: {  	_ = 	snop  }
0x3b: {  	_ = 	snop  }
0x3c: {  	p2 =	seq.s32 s10, $0x1;
	s10 =	sld [smem:$0x3FBA]  }
0x3d: {  	_ =	shalt  }
0x3e: {  	_ =	shalt  }
0x3f: {  	_ =	shalt  }
0x40: {  	_ =	shalt  }
0x41: {  	_ =	shalt  }
0x42: {  	_ =	shalt  }
0x43: {  	_ =	shalt  }
0x44: {  	_ =	shalt  }
0x45: {  	_ =	shalt  }
0x46: {  	_ =	shalt  }
0x47: {  	_ =	shalt  }
0x48: {  	_ =	shalt  }
0x49: {  	_ =	shalt  }
0x4a: {  	_ =	shalt  }
0x4b: {  	_ =	shalt  }
0x4c: {  	_ =	shalt  }
0x4d: {  	_ =	shalt  }
0x4e: {  	_ =	shalt  }
0x4f: {  	_ =	shalt  }
0x50: {  	_ =	shalt  }
0x51: {  	_ =	shalt  }
0x52: {  	_ =	shalt  }
0x53: {  	_ =	shalt  }
0x54: {  	_ =	shalt  }
0x55: {  	_ =	shalt  }
0x56: {  	_ =	shalt  }
0x57: {  	_ =	shalt  }
0x58: {  	_ =	shalt  }
0x59: {  	_ =	shalt  }
0x5a: {  	_ =	shalt  }
0x5b: {  	_ =	shalt  }
0x5c: {  	_ =	shalt  }
0x5d: {  	_ =	shalt  }
0x5e: {  	_ =	shalt  }
0x5f: {  	_ =	shalt  }
0x60: {  	_ =	shalt  }
0x61: {  	_ =	shalt  }
0x62: {  	_ =	shalt  }
0x63: {  	_ =	shalt  }
0x64: {  	_ =	shalt  }
0x65: {  	_ =	shalt  }
0x66: {  	_ =	shalt  }
0x67: {  	_ =	shalt  }
0x68: {  	_ =	shalt  }
0x69: {  	_ =	shalt  }
0x6a: {  	_ =	shalt  }
0x6b: {  	_ =	shalt  }
0x6c: {  	_ =	shalt  }
0x6d: {  	_ =	shalt  }
0x6e: {  	_ =	shalt  }
0x6f: {  	_ =	shalt  }
0x70: {  	_ =	shalt  }
0x71: {  	_ =	shalt  }
0x72: {  	_ =	shalt  }
0x73: {  	_ =	shalt  }
0x74: {  	_ =	shalt  }
0x75: {  	_ =	shalt  }
0x76: {  	_ =	shalt  }
0x77: {  	_ =	shalt  }
0x78: {  	_ =	shalt  }
0x79: {  	_ =	shalt  }
0x7a: {  	_ =	shalt  }
0x7b: {  	_ =	shalt  }
0x7c: {  	_ =	shalt  }
0x7d: {  	_ =	shalt  }
0x7e: {  	_ =	shalt  }
0x7f: {  	_ =	shalt  }
0x80: {  	_ =	shalt  }
0x81: {  	_ =	shalt  }
0x82: {  	_ =	shalt  }
0x83: {  	_ =	shalt  }
0x84: {  	_ =	shalt  }
0x85: {  	_ =	shalt  }
0x86: {  	_ =	shalt  }
0x87: {  	_ =	shalt  }
.Lfunc_end0:
.L_simem_size_0:
called_computation_lowered:
.L_overlay_start_0:
0x88: {  	s2 =	sld [smem:$0x3FD9]  }
0x89: {  	s3 =	sld [smem:$0x3FFE];
	_ =	sdelay $0x1  }
0x8a: {  	s1 =	srdreg.scid  }
0x8b: {  	s0 =	sand.u32 $0x1, s1  }
0x8c: {  	s14 =	sshll.u32 s0, $0xA;
	s2 =	sadd.s32 s3, s2  }
0x8d: {  	s2 =	sadd.s32 s2, s14  }
0x8e: {  	[smem:$0x3FC6] =	sst s2  }
0x8f: {  	_ = 	snop  }
0x90: {  	s2 =	sld [smem:$0x3FD0];
	_ =	sdelay $0x2  }
0x91: {  	s15 =	simm.s32 $0xA;
	s4 =	simm.s32 $0x10  }
0x92: {  	[smem:s4], [sflag:s15] =	dma.local [hbm:s2], $0x1  }
0x93: {  	_ =	swait.eq [sflag:s15], $0x1  }
0x94: {  	[sflag:s15] =	ssyncset.done $0x0  }
0x95: {  	[sflag:s15] =	ssyncadd.s32 $0xFFFFFFFF  }
0x96: {  	s16 =	sld [smem:$0x11];
	(tm) =	ssettm $0x1  }
0x97: {  	s17 =	sld [smem:$0x3FFB];
	_ =	sdelay $0x3  }
0x98: {  	_ =	strace s17  }
0x99: {  	s3 =	sld [smem:$0x3FFC];
	_ =	sdelay $0x3  }
0x9a: {  	_ =	strace s3  }
0x9b: {  	s3 =	sld [smem:$0x3FFD];
	_ =	sdelay $0x3  }
0x9c: {  	_ =	strace s3  }
0x9d: {  	_ =	strace $0x8FFFFFFF  }
0x9e: {  	s18 =	sld [smem:$0x3FDB];
	_ =	sdelay $0x1  }
0x9f: {  	s19 =	simm.s32 $_scs_section_size  }
0xa0: {  	s5 =	simm.s32 $_size__tile_overlayer_lowered;
	s6 =	simm.s32 $_tile_overlayer_lowered  }
0xa1: {  	s22 =	simm.s32 $0x1BFF;
	s21 =	sshll.u32 s6, $0x1;
	s3 =	sadd.s32 s19, s18  }
0xa2: {  	s7 =	simm.s32 $0x0;
	s20 =	sshll.u32 s5, $0x1;
	s5 =	sadd.s32 s21, s3  }
0xa3: {  	[timem:s7], [sflag:s22] =	dma.local [hbm:s5], s20  }
0xa4: {  	_ =	swait.ge [sflag:s22], s20  }
0xa5: {  	s4 =	ssub.s32 $0x0, s20;
	[sflag:s22] =	ssyncset.done $0x0  }
0xa6: {  	[sflag:s22] =	ssyncadd.s32 s4;
	_ =	sdelay $0x1  }
0xa7: {  	s23 =	simm.s32 $0x1B8B  }
0xa8: {  	_ =	swait.ge [sflag:s23], $0x1  }
0xa9: {  	[sflag:s23] =	ssyncset.done $0x0  }
0xaa: {  	s25 =	simm.s32 $0x1B8E;
	s24 =	sld [smem:$0x3FFE];
	[sflag:s23] =	ssyncadd.s32 $0xFFFFFFFF  }
0xab: {  	s26 =	simm.s32 $execute0_lowered;
	[smem:$0x3FD2] =	sst s25  }
0xac: {  	s5 =	sshll.u32 s26, $0x1;
	_ =	strace $0x80000046;
	[dreg:$0x1] =	wrdreg $0xFFFFFFFF  }
0xad: {  	s28 =	simm.s32 $_size_execute0_lowered;
	s3 =	sadd.s32 s3, s5;
	[dreg:$0x0] =	wrdreg $0x0  }
0xae: {  	s5 =	sshll.u32 s28, $0x1;
	[dreg:$0x2] =	wrdreg s3  }
0xaf: {  	[dreg:$0x3] =	wrdreg s5  }
0xb0: {  	[dreg:$0x4] =	wrdreg $0xC0  }
0xb1: {  	_ =	task [dreg:s7], $0x5FFFF  }
0xb2: {  	[dreg:$0x1] =	wrdreg $0xFFFFFFFF  }
0xb3: {  	[dreg:$0x0] =	wrdreg $0x60  }
0xb4: {  	[dreg:$0x2] =	wrdreg s24  }
0xb5: {  	[dreg:$0x3] =	wrdreg s16  }
0xb6: {  	[dreg:$0x4] =	wrdreg $0x9  }
0xb7: {  	_ =	task.clear_ibuf [dreg:s7], $0x5FFFF;
	_ =	strace $0x90000046  }
0xb8: {  	s29 =	simm.s32 $0x9;
	_ =	strace $0x80000048  }
0xb9: {  	_ =	swait.ge [sflag:s29], $0x1  }
0xba: {  	[sflag:s29] =	ssyncadd.s32 $0xFFFFFFFF  }
0xbb: {  	_ =	strace $0x90000048  }
0xbc: {  	_ =	sfence  }
0xbd: {  	s30 =	sld [smem:$0x0];
	_ =	sdelay $0x2  }
0xbe: {  	s31 =	sshll.u32 s1, $0xD;
	s1 =	sshrl.u32 s1, $0x2  }
0xbf: {  	s3 =	sand.u32 $0x4000, s31;
	s1 =	sadd.s32 s1, s30  }
0xc0: {  	s0 =	sor.u32 s3, s0;
	s1 =	sshll.u32 s1, $0x11  }
0xc1: {  	s0 =	sor.u32 s1, s0  }
0xc2: {  	s0 =	sadd.s32 $0x8F2B, s0  }
0xc3: {  	[sflag:s0] =	ssyncadd.remote.s32 $0x1  }
0xc4: {  	_ =	sfence.sel $0xFFFF  }
0xc5: {  	[dreg:$0x0] =	wrdreg $0xFFFFFFFF;
	(pc) =	sbr.abs _section_cstart, $3  }
0xc6: {  	[dreg:$0x1] =	wrdreg $0xFFFFFFFF  }
0xc7: {  	_ =	task.clear_ibuf [dreg:s7], $0x2FFFF;
	_ =	strace $0x9FFFFFFF  }
0xc8: {  	(tm) =	ssettm $0x7FFFFFFF  }
0xc9: {  	_ =	shalt  }
tec
execute0_lowered:
.L_overlay_start_1:
0x0: {  	(tag) =	ssettag $0x1  }
0x1: {  	s1 =	srdreg.scid  }
0x2: {  	s8 =	rddreg [dreg:$0x0];
	s0 =	stileid.u32  }
0x3: {  	s3 =	rddreg [dreg:$0x1];
	s2 =	simm.s32 $0x0;
	s6 =	sand.u32 $0x1, s1  }
0x4: {  	s4 =	sshll.u32 s0, $0x6;
	s1 =	rddreg [dreg:$0x2];
	s5 =	sshll.u32 s6, $0x5  }
0x5: {  	s7 =	simm.s32 $0x1;
	[smem:$0x7FF] =	sst s2;
	s9 =	sor.u32 s5, s4  }
0x6: {  	_ =	strace $0x80000047;
	s10 =	ssub.s32 $0x2, s6;
	s4 =	sshrl.u32 s9, $0x3  }
0x7: {  	s6 =	simm.s32 $0x20;
	s4 =	sadd.s32 s3, s4;
	s3 =	simm.s32 $0x2  }
0x8: {  	[tilespmem:s2], [sflag:$0x2] =	stream.linear.gather [hbm4b:s4+s2], $0x20, $0x38;
	[tilespmem:$0x220] =	vst v63  }
0x9: {  	s5 =	sadd.s32 $0xC00, s8;
	s11 =	sshrl.u32 s10, $0x1;
	_ =	swait.ge [sflag:s3], $0x20  }
0xa: {  	s9 =	sshll.u32 s9, $0x1;
	s31 =	ssub.s32 s10, s11;
	[sflag:s3] =	ssyncset.done $0x0  }
0xb: {  	s8 =	sadd.s32 s9, s8;
	s9 =	smax.u32 s31, $0x1;
	[sflag:s3] =	ssyncadd.s32 $0xFFFFFFE0  }
0xc: {  	[tilespmem:s6], [sflag:$0x1] =	stream.indirect.gather [hbm4b:s5+s6], $0x10, s2, s6, $0xb8;
	[tilespmem:$0x220] =	vst v63  }
0xd: {  	p0 =	sne.s32 s9, $0x1;
	_ =	swait.ge [sflag:s7], $0x200  }
.Ltmp0:
0xe: {  	[sflag:s7] =	ssyncset.done $0x0;
	(pc) =	sbr.rel @!p0 .LBB2_2-.Ltmp0, $4  }
0xf: {  	s8 =	sadd.s32 $0x4EE00, s8;
	[sflag:s7] =	ssyncadd.s32 $0xFFFFFE00  }
0x10: {  	[hbm4b:s8+s2] =	stream.linear.scatter [tilespmem:s6], [sflag:$0x2], $0x200, $0x38;
	[tilespmem:$0x220] =	vst v63  }
0x11: {  	_ =	swait.ge [sflag:s3], $0x200  }
0x12: {  	s9 =	sadd.s32 $0xFFFFFFFF, s9;
	[sflag:s3] =	ssyncset.done $0x0  }
.LBB2_1:
0x13: {  	p0 =	sne.s32 s9, $0x1;
	s9 =	sadd.s32 $0xFFFFFFFF, s9;
	[sflag:s3] =	ssyncadd.s32 $0xFFFFFE00  }
0x14: {  	[tilespmem:s2], [sflag:$0x2] =	stream.linear.gather [hbm4b:s4+s2], $0x20, $0x38;
	[tilespmem:$0x220] =	vst v63  }
0x15: {  	_ =	swait.ge [sflag:s3], $0x20  }
0x16: {  	[sflag:s3] =	ssyncset.done $0x0  }
0x17: {  	[sflag:s3] =	ssyncadd.s32 $0xFFFFFFE0  }
0x18: {  	[tilespmem:s6], [sflag:$0x1] =	stream.indirect.gather [hbm4b:s5+s6], $0x10, s2, s6, $0xb8;
	[tilespmem:$0x220] =	vst v63  }
0x19: {  	_ =	swait.ge [sflag:s7], $0x200  }
.Ltmp1:
0x1a: {  	[sflag:s7] =	ssyncset.done $0x0;
	(pc) =	sbr.rel @p0 .LBB2_1-.Ltmp1, $4  }
0x1b: {  	[sflag:s7] =	ssyncadd.s32 $0xFFFFFE00  }
0x1c: {  	[hbm4b:s8+s2] =	stream.linear.scatter [tilespmem:s6], [sflag:$0x2], $0x200, $0x38;
	[tilespmem:$0x220] =	vst v63  }
0x1d: {  	_ =	swait.ge [sflag:s3], $0x200  }
0x1e: {  	[sflag:s3] =	ssyncset.done $0x0  }
.LBB2_2:
0x1f: {  	[sflag:s3] =	ssyncadd.s32 $0xFFFFFE00  }
0x20: {  	_ =	sfence.sel $0x180000  }
0x21: {  	[bflag:$0x0] =	sbarrier.arrive $0xFFFF  }
0x22: {  	p0 =	sne.s32 s0, $0x0;
	_ =	strace $0x90000047  }
0x23: {  	s0 =	sadd.s32 @!p0 $0x100000, s1;
	[bflag:$0x2] =	sbarrier.arrive $0xFFFF  }
0x24: {  	[sflag:s0] =	ssyncadd.tile.s32 @!p0 $0x1;
	_ =	shalt  }
.Lfunc_end2:
_tile_overlayer_lowered:
.L_overlay_start_2:
0x25: {  	(tag) =	ssettag $0x2  }
0x26: {  	s0 =	rddreg [dreg:$0x0];
	s2 =	stileid.u32  }
0x27: {  	s1 =	rddreg [dreg:$0x1];
	p0 =	sne.s32 s2, $0x0  }
0x28: {  	s3 =	rddreg [dreg:$0x2];
	[bflag:$0x3] =	sbarrier.arrive $0xFFFF;
	s2 =	simm.s32 @!p0 $0x1C02  }
0x29: {  	[timem:s3], [sflag:s2] =	dma.local @!p0 [hbm:s0], s1  }
0x2a: {  	s0 =	simm.s32 @!p0 $0x2  }
0x2b: {  	_ =	swait.ge @!p0 [sflag:s0], s1  }
0x2c: {  	s1 =	ssub.s32 @!p0 $0x0, s1;
	[sflag:s0] =	ssyncset.done @!p0 $0x0  }
0x2d: {  	[sflag:s0] =	ssyncadd.s32 @!p0 s1  }
0x2e: {  	[bflag:$0x3] =	sbarrier.arrive $0xFFFF  }
0x2f: {  	_ =	shalt  }

</sc_bundles>
